<compile_context>
chip_gen: v7x
topology: tpu7x:2x2x1
jax: 0.10.2.dev20260603
libtpu: 0.0.44.dev20260713+nightly
codegen_flags: <defaults>
</compile_context>

<pallas_src>
import functools

import jax
import jax.numpy as jnp
from jax import lax
from jax.experimental import pallas as pl
from jax.experimental.pallas import tpu as pltpu
from jax.experimental.pallas import tpu_sc as plsc
from jax.experimental import layout as _jlayout

_N_COLS = 26
_D = 64
_L = 20
_B = 1024
_PB = _L * _N_COLS
_SR = 8 * _N_COLS
_GC = _SR // 2
_NS = 4


def _make_sc_gather(lp, l0):
    info = plsc.get_sparse_core_info()
    nc, ns = info.num_cores, info.num_subcores
    nw = nc * ns
    nb_per_w = _B // nw
    nblk = nb_per_w // 8
    n_per_w = nb_per_w * _PB
    n_stripes = nblk * lp
    assert _B % (8 * nw) == 0 and n_stripes % 2 == 0

    mesh = plsc.VectorSubcoreMesh(core_axis_name="c", subcore_axis_name="s")

    @functools.partial(
        pl.kernel,
        mesh=mesh,
        compiler_params=pltpu.CompilerParams(
            use_tc_tiling_on_sc=False, needs_layout_passes=False
        ),
        out_type=jax.ShapeDtypeStruct((lp * _B * _N_COLS, _D), jnp.float32),
        scratch_types=[
            pltpu.VMEM((n_per_w,), jnp.int32),
            pltpu.VMEM((_SR,), jnp.int32),
            pltpu.VMEM((_SR,), jnp.int32),
            pltpu.VMEM((n_per_w,), jnp.int32),
            pltpu.VMEM((_NS, _SR, _D), jnp.float32),
            [pltpu.SemaphoreType.DMA] * _NS,
            [pltpu.SemaphoreType.DMA] * _NS,
        ],
    )
    def k(idx_hbm, tab_hbm, perm_hbm, offp_hbm, out_hbm, idx_v, perm_v,
          offp_v, gidx_v, bufs, gsems, osems):
        wid = lax.axis_index("s") * nc + lax.axis_index("c")
        base = wid * n_per_w
        pltpu.sync_copy(idx_hbm.at[pl.ds(base, n_per_w)], idx_v)
        pltpu.sync_copy(perm_hbm, perm_v)
        pltpu.sync_copy(offp_hbm, offp_v)

        def build_gidx(s, carry):
            sbase = (s // lp) * (8 * _PB) + (l0 + s % lp) * _N_COLS
            for kk in range(_SR // 16):
                sl = pl.ds(kk * 16, 16)
                src = perm_v[sl] + sbase
                vals = plsc.load_gather(idx_v, [src])
                gidx_v[pl.ds(s * _SR + kk * 16, 16)] = vals + offp_v[sl]
            return carry

        lax.fori_loop(0, n_stripes, build_gidx, 0)

        def fire_gathers(s, r):
            for j in range(2):
                pltpu.async_copy(
                    tab_hbm.at[gidx_v.at[pl.ds(s * _SR + j * _GC, _GC)]],
                    bufs.at[r, pl.ds(j * _GC, _GC)],
                    gsems[r],
                )

        def drain_gathers(r):
            for j in range(2):
                pltpu.make_async_copy(
                    tab_hbm.at[pl.ds(0, _GC)],
                    bufs.at[r, pl.ds(j * _GC, _GC)],
                    gsems[r],
                ).wait()

        def fire_out(s, r):
            row0 = ((s % lp) * (_B // 8) + wid * nblk + s // lp) * _SR
            pltpu.async_copy(
                bufs.at[r],
                out_hbm.at[pl.ds(row0, _SR)],
                osems[r],
            )

        def drain_out(r):
            pltpu.make_async_copy(
                bufs.at[r],
                out_hbm.at[pl.ds(0, _SR)],
                osems[r],
            ).wait()

        for r in range(_NS):
            fire_gathers(r, r)

        def body(q, carry):
            for r in range(_NS):
                s = q * _NS + r
                drain_gathers(r)
                fire_out(s, r)
                drain_out(r)

                @pl.when(s + _NS < n_stripes)
                def _():
                    fire_gathers(s + _NS, r)

            return carry

        lax.fori_loop(0, n_stripes // _NS, body, 0)

    return k


def kernel(inputs, tables):
    b, l, n_cols = inputs.shape
    _, vocab, d = tables.shape
    idx_flat = inputs.astype(jnp.int32).reshape(b * l * n_cols)
    tab_flat = tables.reshape(n_cols * vocab, d)
    j = jnp.arange(_SR, dtype=jnp.int32)
    col = 2 * (j // 16) + (j % 2)
    perm = ((j % 16) // 2) * _PB + col
    offp = col * vocab
    out2d = _make_sc_gather(_L, 0)(idx_flat, tab_flat, perm, offp)
    o5 = out2d.reshape(_L, _B // 8, _N_COLS // 2, 8, 128)
    o5 = _jlayout.with_layout_constraint(
        o5,
        _jlayout.Layout(major_to_minor=(0, 1, 2, 3, 4), tiling=((8, 128),)),
    )
    o5 = o5.transpose(1, 3, 0, 2, 4)
    o5 = _jlayout.with_layout_constraint(
        o5,
        _jlayout.Layout(major_to_minor=(2, 0, 3, 1, 4), tiling=((8, 128),)),
    )
    return o5.reshape(_B, _L, _N_COLS * _D)

# --- scband reference (transcript-rebuilt; emitter-appended) ---
"""Pipeline reference for scband-multi-col-embedding-5609227289058 (READ-ONLY COPY).

The authoritative reference and input builder live on the scoring server;
editing this copy changes nothing except your own understanding.
"""

import jax, jax.numpy as jnp
import numpy as np

N_COLS = 26
VOCAB = 1000
EMBED_DIM = 64
BATCH = 1024
SEQ_LEN = 20


def setup_inputs(seed: int = 0) -> dict:
    key = jax.random.key(seed)
    k_idx, k_tab = jax.random.split(key)
    inputs = jax.random.randint(k_idx, (BATCH, SEQ_LEN, N_COLS), 0, VOCAB, dtype=jnp.int32)
    # One embedding table per column; all same shape so stack into [N_COLS, VOCAB, EMBED_DIM]
    tables = jax.random.normal(k_tab, (N_COLS, VOCAB, EMBED_DIM), dtype=jnp.float32) * 0.05
    return {"inputs": inputs, "tables": tables}


def reference(inputs, tables):
    # MultiColEmbedding.call: cast to int, per-column embedding lookup, concat along last axis
    idx = inputs.astype(jnp.int32)
    embeddings = []
    for i in range(tables.shape[0]):
        sub_inp = idx[:, :, i]                      # [B, L]
        embeddings.append(jnp.take(tables[i], sub_inp, axis=0))  # [B, L, D]
    outputs = jnp.concatenate(embeddings, axis=2)   # [B, L, N_COLS * D]
    return outputs

if __name__ == "__main__":
    import jax
    _d = setup_inputs()
    print(jax.jit(kernel)(*tuple(_d.values())))

</pallas_src>

<mosaic_0001>
#map = affine_map<(d0, d1) -> (0)>
#map1 = affine_map<(d0, d1) -> (0, 0)>
module attributes {stable_mosaic.version = 14 : i64} {
  func.func @k(%arg0: i32, %arg1: i32, %arg2: memref<532480xi32, #tpu.memory_space<hbm>>, %arg3: memref<26000x64xf32, #tpu.memory_space<hbm>>, %arg4: memref<208xi32, #tpu.memory_space<hbm>>, %arg5: memref<208xi32, #tpu.memory_space<hbm>>, %arg6: memref<532480x64xf32, #tpu.memory_space<hbm>>, %arg7: memref<16640xi32, #tpu.memory_space<vmem>>, %arg8: memref<208xi32, #tpu.memory_space<vmem>>, %arg9: memref<208xi32, #tpu.memory_space<vmem>>, %arg10: memref<16640xi32, #tpu.memory_space<vmem>>, %arg11: memref<4x208x64xf32, #tpu.memory_space<vmem>>, %arg12: memref<!tpu.dma_semaphore, #tpu.memory_space<semaphore_mem>>, %arg13: memref<!tpu.dma_semaphore, #tpu.memory_space<semaphore_mem>>, %arg14: memref<!tpu.dma_semaphore, #tpu.memory_space<semaphore_mem>>, %arg15: memref<!tpu.dma_semaphore, #tpu.memory_space<semaphore_mem>>, %arg16: memref<!tpu.dma_semaphore, #tpu.memory_space<semaphore_mem>>, %arg17: memref<!tpu.dma_semaphore, #tpu.memory_space<semaphore_mem>>, %arg18: memref<!tpu.dma_semaphore, #tpu.memory_space<semaphore_mem>>, %arg19: memref<!tpu.dma_semaphore, #tpu.memory_space<semaphore_mem>>) attributes {dimension_semantics = [#tpu.dimension_semantics<core_parallel>, #tpu.dimension_semantics<subcore_parallel>], iteration_bounds = array<i64: 2, 16>, scalar_prefetch = 0 : i64, scratch_operands = 13 : i64, tpu.core_type = #tpu.core_type<sc_vector_subcore>, window_params = [{transform_indices = #map}, {transform_indices = #map1}, {transform_indices = #map}, {transform_indices = #map}, {transform_indices = #map1}]} {
    %mul3A = arith.constant 2 : i32
    %mul3A_0 = arith.muli %arg1, %mul3A : i32
    %add3A = arith.addi %mul3A_0, %arg0 : i32
    %mul3A_1 = arith.constant 16640 : i32
    %mul3A_2 = arith.muli %add3A, %mul3A_1 : i32
    "tpu.region"() ({
      %run_scoped3A = tpu.sem_alloc : memref<!tpu.dma_semaphore, #tpu.memory_space<semaphore_mem>>
      %dma_start3A_93 = tpu.memref_slice %arg2[%mul3A_2] : memref<532480xi32, #tpu.memory_space<hbm>> -> memref<16640xi32, #tpu.memory_space<hbm>>
      %dma_start3A_94 = tpu.memref_slice %arg2[%mul3A_2] : memref<532480xi32, #tpu.memory_space<hbm>> -> memref<16640xi32, #tpu.memory_space<hbm>>
      tpu.enqueue_dma source(%dma_start3A_94 : memref<16640xi32, #tpu.memory_space<hbm>>) target(%arg7 : memref<16640xi32, #tpu.memory_space<vmem>>) target_semaphore(%run_scoped3A : memref<!tpu.dma_semaphore, #tpu.memory_space<semaphore_mem>>)
      %dma_wait3A = tpu.memref_slice %arg2[%mul3A_2] : memref<532480xi32, #tpu.memory_space<hbm>> -> memref<16640xi32, #tpu.memory_space<hbm>>
      %dma_wait3A_95 = tpu.memref_slice %arg2[%mul3A_2] : memref<532480xi32, #tpu.memory_space<hbm>> -> memref<16640xi32, #tpu.memory_space<hbm>>
      tpu.wait_dma2 semaphore(%run_scoped3A : memref<!tpu.dma_semaphore, #tpu.memory_space<semaphore_mem>>) src(%dma_wait3A_95 : memref<16640xi32, #tpu.memory_space<hbm>>) dst(%arg7 : memref<16640xi32, #tpu.memory_space<vmem>>)
      tpu.yield
    }) : () -> ()
    "tpu.region"() ({
      %run_scoped3A = tpu.sem_alloc : memref<!tpu.dma_semaphore, #tpu.memory_space<semaphore_mem>>
      tpu.enqueue_dma source(%arg4 : memref<208xi32, #tpu.memory_space<hbm>>) target(%arg8 : memref<208xi32, #tpu.memory_space<vmem>>) target_semaphore(%run_scoped3A : memref<!tpu.dma_semaphore, #tpu.memory_space<semaphore_mem>>)
      tpu.wait_dma2 semaphore(%run_scoped3A : memref<!tpu.dma_semaphore, #tpu.memory_space<semaphore_mem>>) src(%arg4 : memref<208xi32, #tpu.memory_space<hbm>>) dst(%arg8 : memref<208xi32, #tpu.memory_space<vmem>>)
      tpu.yield
    }) : () -> ()
    "tpu.region"() ({
      %run_scoped3A = tpu.sem_alloc : memref<!tpu.dma_semaphore, #tpu.memory_space<semaphore_mem>>
      tpu.enqueue_dma source(%arg5 : memref<208xi32, #tpu.memory_space<hbm>>) target(%arg9 : memref<208xi32, #tpu.memory_space<vmem>>) target_semaphore(%run_scoped3A : memref<!tpu.dma_semaphore, #tpu.memory_space<semaphore_mem>>)
      tpu.wait_dma2 semaphore(%run_scoped3A : memref<!tpu.dma_semaphore, #tpu.memory_space<semaphore_mem>>) src(%arg5 : memref<208xi32, #tpu.memory_space<hbm>>) dst(%arg9 : memref<208xi32, #tpu.memory_space<vmem>>)
      tpu.yield
    }) : () -> ()
    %scan3A = arith.constant 0 : i32
    %scan3A_3 = arith.constant 0 : i32
    %scan3A_4 = arith.constant 80 : i32
    %scan3A_5 = arith.addi %scan3A_3, %scan3A_4 : i32
    %scan3A_6 = arith.constant 1 : i32
    scf.for %scan3A_93 = %scan3A_3 to %scan3A_5 step %scan3A_6  : i32 {
      %jit3A = arith.constant 20 : i32
      %div3A = arith.divsi %scan3A_93, %jit3A : i32
      %sign3A = arith.constant 0 : i32
      %sign3A_94 = arith.cmpi sgt, %scan3A_93, %sign3A : i32
      %sign3A_95 = arith.extui %sign3A_94 : i1 to i32
      %sign3A_96 = arith.constant 0 : i32
      %sign3A_97 = arith.cmpi slt, %scan3A_93, %sign3A_96 : i32
      %sign3A_98 = arith.extui %sign3A_97 : i1 to i32
      %sign3A_99 = arith.subi %sign3A_95, %sign3A_98 : i32
      %sign3A_100 = arith.constant 0 : i32
      %sign3A_101 = arith.cmpi sgt, %jit3A, %sign3A_100 : i32
      %sign3A_102 = arith.extui %sign3A_101 : i1 to i32
      %sign3A_103 = arith.constant 0 : i32
      %sign3A_104 = arith.cmpi slt, %jit3A, %sign3A_103 : i32
      %sign3A_105 = arith.extui %sign3A_104 : i1 to i32
      %sign3A_106 = arith.subi %sign3A_102, %sign3A_105 : i32
      %ne3A = arith.cmpi ne, %sign3A_99, %sign3A_106 : i32
      %rem3A = arith.remsi %scan3A_93, %jit3A : i32
      %ne3A_107 = arith.constant 0 : i32
      %ne3A_108 = arith.cmpi ne, %rem3A, %ne3A_107 : i32
      %and3A = arith.andi %ne3A, %ne3A_108 : i1
      %sub3A = arith.constant 1 : i32
      %sub3A_109 = arith.subi %div3A, %sub3A : i32
      %select_n3A = arith.select %and3A, %sub3A_109, %div3A : i32
      %mul3A_110 = arith.constant 4160 : i32
      %mul3A_111 = arith.muli %select_n3A, %mul3A_110 : i32
      %jit3A_112 = arith.constant 20 : i32
      %eq3A = arith.constant 0 : i32
      %eq3A_113 = arith.cmpi eq, %jit3A_112, %eq3A : i32
      %jit3A_114 = arith.constant 1 : i32
      %select_n3A_115 = arith.select %eq3A_113, %jit3A_114, %jit3A_112 : i32
      %rem3A_116 = arith.remsi %scan3A_93, %select_n3A_115 : i32
      %ne3A_117 = arith.constant 0 : i32
      %ne3A_118 = arith.cmpi ne, %rem3A_116, %ne3A_117 : i32
      %lt3A = arith.constant 0 : i32
      %lt3A_119 = arith.cmpi slt, %rem3A_116, %lt3A : i32
      %lt3A_120 = arith.constant 0 : i32
      %lt3A_121 = arith.cmpi slt, %select_n3A_115, %lt3A_120 : i32
      %ne3A_122 = arith.xori %lt3A_119, %lt3A_121 : i1
      %and3A_123 = arith.andi %ne3A_122, %ne3A_118 : i1
      %add3A_124 = arith.addi %rem3A_116, %select_n3A_115 : i32
      %select_n3A_125 = arith.select %and3A_123, %add3A_124, %rem3A_116 : i32
      %add3A_126 = arith.constant 0 : i32
      %add3A_127 = arith.addi %add3A_126, %select_n3A_125 : i32
      %mul3A_128 = arith.constant 26 : i32
      %mul3A_129 = arith.muli %add3A_127, %mul3A_128 : i32
      %add3A_130 = arith.addi %mul3A_111, %mul3A_129 : i32
      %get3A = arith.constant 0 : index
      %get3A_131 = tpu.vector_load %arg8[%get3A] {strides = array<i32>} : memref<208xi32, #tpu.memory_space<vmem>>, vector<16xi32>,
      %add3A_132 = vector.broadcast %add3A_130 : i32 to vector<16xi32>
      %add3A_133 = arith.addi %get3A_131, %add3A_132 : vector<16xi32>
      %gather3A = tpu.vector_load_idx %arg7[%add3A_133] : memref<16640xi32, #tpu.memory_space<vmem>>[vector<16xi32>], vector<16xi32>,
      %get3A_134 = arith.constant 0 : index
      %get3A_135 = tpu.vector_load %arg9[%get3A_134] {strides = array<i32>} : memref<208xi32, #tpu.memory_space<vmem>>, vector<16xi32>,
      %add3A_136 = arith.addi %gather3A, %get3A_135 : vector<16xi32>
      %mul3A_137 = arith.constant 208 : i32
      %mul3A_138 = arith.muli %scan3A_93, %mul3A_137 : i32
      %add3A_139 = arith.constant 0 : i32
      %add3A_140 = arith.addi %mul3A_138, %add3A_139 : i32
      %swap3A = arith.index_cast %add3A_140 : i32 to index
      %swap3A_141 = tpu.vector_load %arg10[%swap3A] {strides = array<i32>} : memref<16640xi32, #tpu.memory_space<vmem>>, vector<16xi32>,
      tpu.vector_store %arg10[%swap3A], %add3A_136 {strides = array<i32>} : memref<16640xi32, #tpu.memory_space<vmem>>, vector<16xi32>,
      %get3A_142 = arith.constant 16 : index
      %get3A_143 = tpu.vector_load %arg8[%get3A_142] {strides = array<i32>} : memref<208xi32, #tpu.memory_space<vmem>>, vector<16xi32>,
      %add3A_144 = vector.broadcast %add3A_130 : i32 to vector<16xi32>
      %add3A_145 = arith.addi %get3A_143, %add3A_144 : vector<16xi32>
      %gather3A_146 = tpu.vector_load_idx %arg7[%add3A_145] : memref<16640xi32, #tpu.memory_space<vmem>>[vector<16xi32>], vector<16xi32>,
      %get3A_147 = arith.constant 16 : index
      %get3A_148 = tpu.vector_load %arg9[%get3A_147] {strides = array<i32>} : memref<208xi32, #tpu.memory_space<vmem>>, vector<16xi32>,
      %add3A_149 = arith.addi %gather3A_146, %get3A_148 : vector<16xi32>
      %mul3A_150 = arith.constant 208 : i32
      %mul3A_151 = arith.muli %scan3A_93, %mul3A_150 : i32
      %add3A_152 = arith.constant 16 : i32
      %add3A_153 = arith.addi %mul3A_151, %add3A_152 : i32
      %swap3A_154 = arith.index_cast %add3A_153 : i32 to index
      %swap3A_155 = tpu.vector_load %arg10[%swap3A_154] {strides = array<i32>} : memref<16640xi32, #tpu.memory_space<vmem>>, vector<16xi32>,
      tpu.vector_store %arg10[%swap3A_154], %add3A_149 {strides = array<i32>} : memref<16640xi32, #tpu.memory_space<vmem>>, vector<16xi32>,
      %get3A_156 = arith.constant 32 : index
      %get3A_157 = tpu.vector_load %arg8[%get3A_156] {strides = array<i32>} : memref<208xi32, #tpu.memory_space<vmem>>, vector<16xi32>,
      %add3A_158 = vector.broadcast %add3A_130 : i32 to vector<16xi32>
      %add3A_159 = arith.addi %get3A_157, %add3A_158 : vector<16xi32>
      %gather3A_160 = tpu.vector_load_idx %arg7[%add3A_159] : memref<16640xi32, #tpu.memory_space<vmem>>[vector<16xi32>], vector<16xi32>,
      %get3A_161 = arith.constant 32 : index
      %get3A_162 = tpu.vector_load %arg9[%get3A_161] {strides = array<i32>} : memref<208xi32, #tpu.memory_space<vmem>>, vector<16xi32>,
      %add3A_163 = arith.addi %gather3A_160, %get3A_162 : vector<16xi32>
      %mul3A_164 = arith.constant 208 : i32
      %mul3A_165 = arith.muli %scan3A_93, %mul3A_164 : i32
      %add3A_166 = arith.constant 32 : i32
      %add3A_167 = arith.addi %mul3A_165, %add3A_166 : i32
      %swap3A_168 = arith.index_cast %add3A_167 : i32 to index
      %swap3A_169 = tpu.vector_load %arg10[%swap3A_168] {strides = array<i32>} : memref<16640xi32, #tpu.memory_space<vmem>>, vector<16xi32>,
      tpu.vector_store %arg10[%swap3A_168], %add3A_163 {strides = array<i32>} : memref<16640xi32, #tpu.memory_space<vmem>>, vector<16xi32>,
      %get3A_170 = arith.constant 48 : index
      %get3A_171 = tpu.vector_load %arg8[%get3A_170] {strides = array<i32>} : memref<208xi32, #tpu.memory_space<vmem>>, vector<16xi32>,
      %add3A_172 = vector.broadcast %add3A_130 : i32 to vector<16xi32>
      %add3A_173 = arith.addi %get3A_171, %add3A_172 : vector<16xi32>
      %gather3A_174 = tpu.vector_load_idx %arg7[%add3A_173] : memref<16640xi32, #tpu.memory_space<vmem>>[vector<16xi32>], vector<16xi32>,
      %get3A_175 = arith.constant 48 : index
      %get3A_176 = tpu.vector_load %arg9[%get3A_175] {strides = array<i32>} : memref<208xi32, #tpu.memory_space<vmem>>, vector<16xi32>,
      %add3A_177 = arith.addi %gather3A_174, %get3A_176 : vector<16xi32>
      %mul3A_178 = arith.constant 208 : i32
      %mul3A_179 = arith.muli %scan3A_93, %mul3A_178 : i32
      %add3A_180 = arith.constant 48 : i32
      %add3A_181 = arith.addi %mul3A_179, %add3A_180 : i32
      %swap3A_182 = arith.index_cast %add3A_181 : i32 to index
      %swap3A_183 = tpu.vector_load %arg10[%swap3A_182] {strides = array<i32>} : memref<16640xi32, #tpu.memory_space<vmem>>, vector<16xi32>,
      tpu.vector_store %arg10[%swap3A_182], %add3A_177 {strides = array<i32>} : memref<16640xi32, #tpu.memory_space<vmem>>, vector<16xi32>,
      %get3A_184 = arith.constant 64 : index
      %get3A_185 = tpu.vector_load %arg8[%get3A_184] {strides = array<i32>} : memref<208xi32, #tpu.memory_space<vmem>>, vector<16xi32>,
      %add3A_186 = vector.broadcast %add3A_130 : i32 to vector<16xi32>
      %add3A_187 = arith.addi %get3A_185, %add3A_186 : vector<16xi32>
      %gather3A_188 = tpu.vector_load_idx %arg7[%add3A_187] : memref<16640xi32, #tpu.memory_space<vmem>>[vector<16xi32>], vector<16xi32>,
      %get3A_189 = arith.constant 64 : index
      %get3A_190 = tpu.vector_load %arg9[%get3A_189] {strides = array<i32>} : memref<208xi32, #tpu.memory_space<vmem>>, vector<16xi32>,
      %add3A_191 = arith.addi %gather3A_188, %get3A_190 : vector<16xi32>
      %mul3A_192 = arith.constant 208 : i32
      %mul3A_193 = arith.muli %scan3A_93, %mul3A_192 : i32
      %add3A_194 = arith.constant 64 : i32
      %add3A_195 = arith.addi %mul3A_193, %add3A_194 : i32
      %swap3A_196 = arith.index_cast %add3A_195 : i32 to index
      %swap3A_197 = tpu.vector_load %arg10[%swap3A_196] {strides = array<i32>} : memref<16640xi32, #tpu.memory_space<vmem>>, vector<16xi32>,
      tpu.vector_store %arg10[%swap3A_196], %add3A_191 {strides = array<i32>} : memref<16640xi32, #tpu.memory_space<vmem>>, vector<16xi32>,
      %get3A_198 = arith.constant 80 : index
      %get3A_199 = tpu.vector_load %arg8[%get3A_198] {strides = array<i32>} : memref<208xi32, #tpu.memory_space<vmem>>, vector<16xi32>,
      %add3A_200 = vector.broadcast %add3A_130 : i32 to vector<16xi32>
      %add3A_201 = arith.addi %get3A_199, %add3A_200 : vector<16xi32>
      %gather3A_202 = tpu.vector_load_idx %arg7[%add3A_201] : memref<16640xi32, #tpu.memory_space<vmem>>[vector<16xi32>], vector<16xi32>,
      %get3A_203 = arith.constant 80 : index
      %get3A_204 = tpu.vector_load %arg9[%get3A_203] {strides = array<i32>} : memref<208xi32, #tpu.memory_space<vmem>>, vector<16xi32>,
      %add3A_205 = arith.addi %gather3A_202, %get3A_204 : vector<16xi32>
      %mul3A_206 = arith.constant 208 : i32
      %mul3A_207 = arith.muli %scan3A_93, %mul3A_206 : i32
      %add3A_208 = arith.constant 80 : i32
      %add3A_209 = arith.addi %mul3A_207, %add3A_208 : i32
      %swap3A_210 = arith.index_cast %add3A_209 : i32 to index
      %swap3A_211 = tpu.vector_load %arg10[%swap3A_210] {strides = array<i32>} : memref<16640xi32, #tpu.memory_space<vmem>>, vector<16xi32>,
      tpu.vector_store %arg10[%swap3A_210], %add3A_205 {strides = array<i32>} : memref<16640xi32, #tpu.memory_space<vmem>>, vector<16xi32>,
      %get3A_212 = arith.constant 96 : index
      %get3A_213 = tpu.vector_load %arg8[%get3A_212] {strides = array<i32>} : memref<208xi32, #tpu.memory_space<vmem>>, vector<16xi32>,
      %add3A_214 = vector.broadcast %add3A_130 : i32 to vector<16xi32>
      %add3A_215 = arith.addi %get3A_213, %add3A_214 : vector<16xi32>
      %gather3A_216 = tpu.vector_load_idx %arg7[%add3A_215] : memref<16640xi32, #tpu.memory_space<vmem>>[vector<16xi32>], vector<16xi32>,
      %get3A_217 = arith.constant 96 : index
      %get3A_218 = tpu.vector_load %arg9[%get3A_217] {strides = array<i32>} : memref<208xi32, #tpu.memory_space<vmem>>, vector<16xi32>,
      %add3A_219 = arith.addi %gather3A_216, %get3A_218 : vector<16xi32>
      %mul3A_220 = arith.constant 208 : i32
      %mul3A_221 = arith.muli %scan3A_93, %mul3A_220 : i32
      %add3A_222 = arith.constant 96 : i32
      %add3A_223 = arith.addi %mul3A_221, %add3A_222 : i32
      %swap3A_224 = arith.index_cast %add3A_223 : i32 to index
      %swap3A_225 = tpu.vector_load %arg10[%swap3A_224] {strides = array<i32>} : memref<16640xi32, #tpu.memory_space<vmem>>, vector<16xi32>,
      tpu.vector_store %arg10[%swap3A_224], %add3A_219 {strides = array<i32>} : memref<16640xi32, #tpu.memory_space<vmem>>, vector<16xi32>,
      %get3A_226 = arith.constant 112 : index
      %get3A_227 = tpu.vector_load %arg8[%get3A_226] {strides = array<i32>} : memref<208xi32, #tpu.memory_space<vmem>>, vector<16xi32>,
      %add3A_228 = vector.broadcast %add3A_130 : i32 to vector<16xi32>
      %add3A_229 = arith.addi %get3A_227, %add3A_228 : vector<16xi32>
      %gather3A_230 = tpu.vector_load_idx %arg7[%add3A_229] : memref<16640xi32, #tpu.memory_space<vmem>>[vector<16xi32>], vector<16xi32>,
      %get3A_231 = arith.constant 112 : index
      %get3A_232 = tpu.vector_load %arg9[%get3A_231] {strides = array<i32>} : memref<208xi32, #tpu.memory_space<vmem>>, vector<16xi32>,
      %add3A_233 = arith.addi %gather3A_230, %get3A_232 : vector<16xi32>
      %mul3A_234 = arith.constant 208 : i32
      %mul3A_235 = arith.muli %scan3A_93, %mul3A_234 : i32
      %add3A_236 = arith.constant 112 : i32
      %add3A_237 = arith.addi %mul3A_235, %add3A_236 : i32
      %swap3A_238 = arith.index_cast %add3A_237 : i32 to index
      %swap3A_239 = tpu.vector_load %arg10[%swap3A_238] {strides = array<i32>} : memref<16640xi32, #tpu.memory_space<vmem>>, vector<16xi32>,
      tpu.vector_store %arg10[%swap3A_238], %add3A_233 {strides = array<i32>} : memref<16640xi32, #tpu.memory_space<vmem>>, vector<16xi32>,
      %get3A_240 = arith.constant 128 : index
      %get3A_241 = tpu.vector_load %arg8[%get3A_240] {strides = array<i32>} : memref<208xi32, #tpu.memory_space<vmem>>, vector<16xi32>,
      %add3A_242 = vector.broadcast %add3A_130 : i32 to vector<16xi32>
      %add3A_243 = arith.addi %get3A_241, %add3A_242 : vector<16xi32>
      %gather3A_244 = tpu.vector_load_idx %arg7[%add3A_243] : memref<16640xi32, #tpu.memory_space<vmem>>[vector<16xi32>], vector<16xi32>,
      %get3A_245 = arith.constant 128 : index
      %get3A_246 = tpu.vector_load %arg9[%get3A_245] {strides = array<i32>} : memref<208xi32, #tpu.memory_space<vmem>>, vector<16xi32>,
      %add3A_247 = arith.addi %gather3A_244, %get3A_246 : vector<16xi32>
      %mul3A_248 = arith.constant 208 : i32
      %mul3A_249 = arith.muli %scan3A_93, %mul3A_248 : i32
      %add3A_250 = arith.constant 128 : i32
      %add3A_251 = arith.addi %mul3A_249, %add3A_250 : i32
      %swap3A_252 = arith.index_cast %add3A_251 : i32 to index
      %swap3A_253 = tpu.vector_load %arg10[%swap3A_252] {strides = array<i32>} : memref<16640xi32, #tpu.memory_space<vmem>>, vector<16xi32>,
      tpu.vector_store %arg10[%swap3A_252], %add3A_247 {strides = array<i32>} : memref<16640xi32, #tpu.memory_space<vmem>>, vector<16xi32>,
      %get3A_254 = arith.constant 144 : index
      %get3A_255 = tpu.vector_load %arg8[%get3A_254] {strides = array<i32>} : memref<208xi32, #tpu.memory_space<vmem>>, vector<16xi32>,
      %add3A_256 = vector.broadcast %add3A_130 : i32 to vector<16xi32>
      %add3A_257 = arith.addi %get3A_255, %add3A_256 : vector<16xi32>
      %gather3A_258 = tpu.vector_load_idx %arg7[%add3A_257] : memref<16640xi32, #tpu.memory_space<vmem>>[vector<16xi32>], vector<16xi32>,
      %get3A_259 = arith.constant 144 : index
      %get3A_260 = tpu.vector_load %arg9[%get3A_259] {strides = array<i32>} : memref<208xi32, #tpu.memory_space<vmem>>, vector<16xi32>,
      %add3A_261 = arith.addi %gather3A_258, %get3A_260 : vector<16xi32>
      %mul3A_262 = arith.constant 208 : i32
      %mul3A_263 = arith.muli %scan3A_93, %mul3A_262 : i32
      %add3A_264 = arith.constant 144 : i32
      %add3A_265 = arith.addi %mul3A_263, %add3A_264 : i32
      %swap3A_266 = arith.index_cast %add3A_265 : i32 to index
      %swap3A_267 = tpu.vector_load %arg10[%swap3A_266] {strides = array<i32>} : memref<16640xi32, #tpu.memory_space<vmem>>, vector<16xi32>,
      tpu.vector_store %arg10[%swap3A_266], %add3A_261 {strides = array<i32>} : memref<16640xi32, #tpu.memory_space<vmem>>, vector<16xi32>,
      %get3A_268 = arith.constant 160 : index
      %get3A_269 = tpu.vector_load %arg8[%get3A_268] {strides = array<i32>} : memref<208xi32, #tpu.memory_space<vmem>>, vector<16xi32>,
      %add3A_270 = vector.broadcast %add3A_130 : i32 to vector<16xi32>
      %add3A_271 = arith.addi %get3A_269, %add3A_270 : vector<16xi32>
      %gather3A_272 = tpu.vector_load_idx %arg7[%add3A_271] : memref<16640xi32, #tpu.memory_space<vmem>>[vector<16xi32>], vector<16xi32>,
      %get3A_273 = arith.constant 160 : index
      %get3A_274 = tpu.vector_load %arg9[%get3A_273] {strides = array<i32>} : memref<208xi32, #tpu.memory_space<vmem>>, vector<16xi32>,
      %add3A_275 = arith.addi %gather3A_272, %get3A_274 : vector<16xi32>
      %mul3A_276 = arith.constant 208 : i32
      %mul3A_277 = arith.muli %scan3A_93, %mul3A_276 : i32
      %add3A_278 = arith.constant 160 : i32
      %add3A_279 = arith.addi %mul3A_277, %add3A_278 : i32
      %swap3A_280 = arith.index_cast %add3A_279 : i32 to index
      %swap3A_281 = tpu.vector_load %arg10[%swap3A_280] {strides = array<i32>} : memref<16640xi32, #tpu.memory_space<vmem>>, vector<16xi32>,
      tpu.vector_store %arg10[%swap3A_280], %add3A_275 {strides = array<i32>} : memref<16640xi32, #tpu.memory_space<vmem>>, vector<16xi32>,
      %get3A_282 = arith.constant 176 : index
      %get3A_283 = tpu.vector_load %arg8[%get3A_282] {strides = array<i32>} : memref<208xi32, #tpu.memory_space<vmem>>, vector<16xi32>,
      %add3A_284 = vector.broadcast %add3A_130 : i32 to vector<16xi32>
      %add3A_285 = arith.addi %get3A_283, %add3A_284 : vector<16xi32>
      %gather3A_286 = tpu.vector_load_idx %arg7[%add3A_285] : memref<16640xi32, #tpu.memory_space<vmem>>[vector<16xi32>], vector<16xi32>,
      %get3A_287 = arith.constant 176 : index
      %get3A_288 = tpu.vector_load %arg9[%get3A_287] {strides = array<i32>} : memref<208xi32, #tpu.memory_space<vmem>>, vector<16xi32>,
      %add3A_289 = arith.addi %gather3A_286, %get3A_288 : vector<16xi32>
      %mul3A_290 = arith.constant 208 : i32
      %mul3A_291 = arith.muli %scan3A_93, %mul3A_290 : i32
      %add3A_292 = arith.constant 176 : i32
      %add3A_293 = arith.addi %mul3A_291, %add3A_292 : i32
      %swap3A_294 = arith.index_cast %add3A_293 : i32 to index
      %swap3A_295 = tpu.vector_load %arg10[%swap3A_294] {strides = array<i32>} : memref<16640xi32, #tpu.memory_space<vmem>>, vector<16xi32>,
      tpu.vector_store %arg10[%swap3A_294], %add3A_289 {strides = array<i32>} : memref<16640xi32, #tpu.memory_space<vmem>>, vector<16xi32>,
      %get3A_296 = arith.constant 192 : index
      %get3A_297 = tpu.vector_load %arg8[%get3A_296] {strides = array<i32>} : memref<208xi32, #tpu.memory_space<vmem>>, vector<16xi32>,
      %add3A_298 = vector.broadcast %add3A_130 : i32 to vector<16xi32>
      %add3A_299 = arith.addi %get3A_297, %add3A_298 : vector<16xi32>
      %gather3A_300 = tpu.vector_load_idx %arg7[%add3A_299] : memref<16640xi32, #tpu.memory_space<vmem>>[vector<16xi32>], vector<16xi32>,
      %get3A_301 = arith.constant 192 : index
      %get3A_302 = tpu.vector_load %arg9[%get3A_301] {strides = array<i32>} : memref<208xi32, #tpu.memory_space<vmem>>, vector<16xi32>,
      %add3A_303 = arith.addi %gather3A_300, %get3A_302 : vector<16xi32>
      %mul3A_304 = arith.constant 208 : i32
      %mul3A_305 = arith.muli %scan3A_93, %mul3A_304 : i32
      %add3A_306 = arith.constant 192 : i32
      %add3A_307 = arith.addi %mul3A_305, %add3A_306 : i32
      %swap3A_308 = arith.index_cast %add3A_307 : i32 to index
      %swap3A_309 = tpu.vector_load %arg10[%swap3A_308] {strides = array<i32>} : memref<16640xi32, #tpu.memory_space<vmem>>, vector<16xi32>,
      tpu.vector_store %arg10[%swap3A_308], %add3A_303 {strides = array<i32>} : memref<16640xi32, #tpu.memory_space<vmem>>, vector<16xi32>,
    }
    %scan3A_7 = arith.constant 80 : i32
    %dma_start3A = arith.constant 0 : i32
    %dma_start3A_8 = arith.constant 0 : i32
    %dma_start3A_9 = arith.constant 0 : i32
    %dma_start3A_10 = tpu.memref_slice %arg11[%dma_start3A, %dma_start3A_8, %dma_start3A_9] : memref<4x208x64xf32, #tpu.memory_space<vmem>> -> memref<1x104x64xf32, #tpu.memory_space<vmem>>
    %dma_start3A_11 = tpu.memref_squeeze %dma_start3A_10 : memref<1x104x64xf32, #tpu.memory_space<vmem>> -> memref<104x64xf32, #tpu.memory_space<vmem>>
    %dma_start3A_12 = arith.constant 0 : i32
    %dma_start3A_13 = tpu.memref_slice %arg10[%dma_start3A_12] : memref<16640xi32, #tpu.memory_space<vmem>> -> memref<104xi32, #tpu.memory_space<vmem>>
    %dma_start3A_14 = arith.constant 0 : i32
    %dma_start3A_15 = arith.constant 0 : i32
    %dma_start3A_16 = tpu.memref_slice %arg3[%dma_start3A_14, %dma_start3A_15] : memref<26000x64xf32, #tpu.memory_space<hbm>> -> memref<26000x64xf32, #tpu.memory_space<hbm>>
    tpu.enqueue_indirect_dma source(%dma_start3A_16 : memref<26000x64xf32, #tpu.memory_space<hbm>>) target(%dma_start3A_11 : memref<104x64xf32, #tpu.memory_space<vmem>>) offsets(%dma_start3A_13 : memref<104xi32, #tpu.memory_space<vmem>>) semaphore(%arg12 : memref<!tpu.dma_semaphore, #tpu.memory_space<semaphore_mem>>)
    %dma_start3A_17 = arith.constant 0 : i32
    %dma_start3A_18 = arith.constant 104 : i32
    %dma_start3A_19 = arith.constant 0 : i32
    %dma_start3A_20 = tpu.memref_slice %arg11[%dma_start3A_17, %dma_start3A_18, %dma_start3A_19] : memref<4x208x64xf32, #tpu.memory_space<vmem>> -> memref<1x104x64xf32, #tpu.memory_space<vmem>>
    %dma_start3A_21 = tpu.memref_squeeze %dma_start3A_20 : memref<1x104x64xf32, #tpu.memory_space<vmem>> -> memref<104x64xf32, #tpu.memory_space<vmem>>
    %dma_start3A_22 = arith.constant 104 : i32
    %dma_start3A_23 = tpu.memref_slice %arg10[%dma_start3A_22] : memref<16640xi32, #tpu.memory_space<vmem>> -> memref<104xi32, #tpu.memory_space<vmem>>
    %dma_start3A_24 = arith.constant 0 : i32
    %dma_start3A_25 = arith.constant 0 : i32
    %dma_start3A_26 = tpu.memref_slice %arg3[%dma_start3A_24, %dma_start3A_25] : memref<26000x64xf32, #tpu.memory_space<hbm>> -> memref<26000x64xf32, #tpu.memory_space<hbm>>
    tpu.enqueue_indirect_dma source(%dma_start3A_26 : memref<26000x64xf32, #tpu.memory_space<hbm>>) target(%dma_start3A_21 : memref<104x64xf32, #tpu.memory_space<vmem>>) offsets(%dma_start3A_23 : memref<104xi32, #tpu.memory_space<vmem>>) semaphore(%arg12 : memref<!tpu.dma_semaphore, #tpu.memory_space<semaphore_mem>>)
    %dma_start3A_27 = arith.constant 1 : i32
    %dma_start3A_28 = arith.constant 0 : i32
    %dma_start3A_29 = arith.constant 0 : i32
    %dma_start3A_30 = tpu.memref_slice %arg11[%dma_start3A_27, %dma_start3A_28, %dma_start3A_29] : memref<4x208x64xf32, #tpu.memory_space<vmem>> -> memref<1x104x64xf32, #tpu.memory_space<vmem>>
    %dma_start3A_31 = tpu.memref_squeeze %dma_start3A_30 : memref<1x104x64xf32, #tpu.memory_space<vmem>> -> memref<104x64xf32, #tpu.memory_space<vmem>>
    %dma_start3A_32 = arith.constant 208 : i32
    %dma_start3A_33 = tpu.memref_slice %arg10[%dma_start3A_32] : memref<16640xi32, #tpu.memory_space<vmem>> -> memref<104xi32, #tpu.memory_space<vmem>>
    %dma_start3A_34 = arith.constant 0 : i32
    %dma_start3A_35 = arith.constant 0 : i32
    %dma_start3A_36 = tpu.memref_slice %arg3[%dma_start3A_34, %dma_start3A_35] : memref<26000x64xf32, #tpu.memory_space<hbm>> -> memref<26000x64xf32, #tpu.memory_space<hbm>>
    tpu.enqueue_indirect_dma source(%dma_start3A_36 : memref<26000x64xf32, #tpu.memory_space<hbm>>) target(%dma_start3A_31 : memref<104x64xf32, #tpu.memory_space<vmem>>) offsets(%dma_start3A_33 : memref<104xi32, #tpu.memory_space<vmem>>) semaphore(%arg13 : memref<!tpu.dma_semaphore, #tpu.memory_space<semaphore_mem>>)
    %dma_start3A_37 = arith.constant 1 : i32
    %dma_start3A_38 = arith.constant 104 : i32
    %dma_start3A_39 = arith.constant 0 : i32
    %dma_start3A_40 = tpu.memref_slice %arg11[%dma_start3A_37, %dma_start3A_38, %dma_start3A_39] : memref<4x208x64xf32, #tpu.memory_space<vmem>> -> memref<1x104x64xf32, #tpu.memory_space<vmem>>
    %dma_start3A_41 = tpu.memref_squeeze %dma_start3A_40 : memref<1x104x64xf32, #tpu.memory_space<vmem>> -> memref<104x64xf32, #tpu.memory_space<vmem>>
    %dma_start3A_42 = arith.constant 312 : i32
    %dma_start3A_43 = tpu.memref_slice %arg10[%dma_start3A_42] : memref<16640xi32, #tpu.memory_space<vmem>> -> memref<104xi32, #tpu.memory_space<vmem>>
    %dma_start3A_44 = arith.constant 0 : i32
    %dma_start3A_45 = arith.constant 0 : i32
    %dma_start3A_46 = tpu.memref_slice %arg3[%dma_start3A_44, %dma_start3A_45] : memref<26000x64xf32, #tpu.memory_space<hbm>> -> memref<26000x64xf32, #tpu.memory_space<hbm>>
    tpu.enqueue_indirect_dma source(%dma_start3A_46 : memref<26000x64xf32, #tpu.memory_space<hbm>>) target(%dma_start3A_41 : memref<104x64xf32, #tpu.memory_space<vmem>>) offsets(%dma_start3A_43 : memref<104xi32, #tpu.memory_space<vmem>>) semaphore(%arg13 : memref<!tpu.dma_semaphore, #tpu.memory_space<semaphore_mem>>)
    %dma_start3A_47 = arith.constant 2 : i32
    %dma_start3A_48 = arith.constant 0 : i32
    %dma_start3A_49 = arith.constant 0 : i32
    %dma_start3A_50 = tpu.memref_slice %arg11[%dma_start3A_47, %dma_start3A_48, %dma_start3A_49] : memref<4x208x64xf32, #tpu.memory_space<vmem>> -> memref<1x104x64xf32, #tpu.memory_space<vmem>>
    %dma_start3A_51 = tpu.memref_squeeze %dma_start3A_50 : memref<1x104x64xf32, #tpu.memory_space<vmem>> -> memref<104x64xf32, #tpu.memory_space<vmem>>
    %dma_start3A_52 = arith.constant 416 : i32
    %dma_start3A_53 = tpu.memref_slice %arg10[%dma_start3A_52] : memref<16640xi32, #tpu.memory_space<vmem>> -> memref<104xi32, #tpu.memory_space<vmem>>
    %dma_start3A_54 = arith.constant 0 : i32
    %dma_start3A_55 = arith.constant 0 : i32
    %dma_start3A_56 = tpu.memref_slice %arg3[%dma_start3A_54, %dma_start3A_55] : memref<26000x64xf32, #tpu.memory_space<hbm>> -> memref<26000x64xf32, #tpu.memory_space<hbm>>
    tpu.enqueue_indirect_dma source(%dma_start3A_56 : memref<26000x64xf32, #tpu.memory_space<hbm>>) target(%dma_start3A_51 : memref<104x64xf32, #tpu.memory_space<vmem>>) offsets(%dma_start3A_53 : memref<104xi32, #tpu.memory_space<vmem>>) semaphore(%arg14 : memref<!tpu.dma_semaphore, #tpu.memory_space<semaphore_mem>>)
    %dma_start3A_57 = arith.constant 2 : i32
    %dma_start3A_58 = arith.constant 104 : i32
    %dma_start3A_59 = arith.constant 0 : i32
    %dma_start3A_60 = tpu.memref_slice %arg11[%dma_start3A_57, %dma_start3A_58, %dma_start3A_59] : memref<4x208x64xf32, #tpu.memory_space<vmem>> -> memref<1x104x64xf32, #tpu.memory_space<vmem>>
    %dma_start3A_61 = tpu.memref_squeeze %dma_start3A_60 : memref<1x104x64xf32, #tpu.memory_space<vmem>> -> memref<104x64xf32, #tpu.memory_space<vmem>>
    %dma_start3A_62 = arith.constant 520 : i32
    %dma_start3A_63 = tpu.memref_slice %arg10[%dma_start3A_62] : memref<16640xi32, #tpu.memory_space<vmem>> -> memref<104xi32, #tpu.memory_space<vmem>>
    %dma_start3A_64 = arith.constant 0 : i32
    %dma_start3A_65 = arith.constant 0 : i32
    %dma_start3A_66 = tpu.memref_slice %arg3[%dma_start3A_64, %dma_start3A_65] : memref<26000x64xf32, #tpu.memory_space<hbm>> -> memref<26000x64xf32, #tpu.memory_space<hbm>>
    tpu.enqueue_indirect_dma source(%dma_start3A_66 : memref<26000x64xf32, #tpu.memory_space<hbm>>) target(%dma_start3A_61 : memref<104x64xf32, #tpu.memory_space<vmem>>) offsets(%dma_start3A_63 : memref<104xi32, #tpu.memory_space<vmem>>) semaphore(%arg14 : memref<!tpu.dma_semaphore, #tpu.memory_space<semaphore_mem>>)
    %dma_start3A_67 = arith.constant 3 : i32
    %dma_start3A_68 = arith.constant 0 : i32
    %dma_start3A_69 = arith.constant 0 : i32
    %dma_start3A_70 = tpu.memref_slice %arg11[%dma_start3A_67, %dma_start3A_68, %dma_start3A_69] : memref<4x208x64xf32, #tpu.memory_space<vmem>> -> memref<1x104x64xf32, #tpu.memory_space<vmem>>
    %dma_start3A_71 = tpu.memref_squeeze %dma_start3A_70 : memref<1x104x64xf32, #tpu.memory_space<vmem>> -> memref<104x64xf32, #tpu.memory_space<vmem>>
    %dma_start3A_72 = arith.constant 624 : i32
    %dma_start3A_73 = tpu.memref_slice %arg10[%dma_start3A_72] : memref<16640xi32, #tpu.memory_space<vmem>> -> memref<104xi32, #tpu.memory_space<vmem>>
    %dma_start3A_74 = arith.constant 0 : i32
    %dma_start3A_75 = arith.constant 0 : i32
    %dma_start3A_76 = tpu.memref_slice %arg3[%dma_start3A_74, %dma_start3A_75] : memref<26000x64xf32, #tpu.memory_space<hbm>> -> memref<26000x64xf32, #tpu.memory_space<hbm>>
    tpu.enqueue_indirect_dma source(%dma_start3A_76 : memref<26000x64xf32, #tpu.memory_space<hbm>>) target(%dma_start3A_71 : memref<104x64xf32, #tpu.memory_space<vmem>>) offsets(%dma_start3A_73 : memref<104xi32, #tpu.memory_space<vmem>>) semaphore(%arg15 : memref<!tpu.dma_semaphore, #tpu.memory_space<semaphore_mem>>)
    %dma_start3A_77 = arith.constant 3 : i32
    %dma_start3A_78 = arith.constant 104 : i32
    %dma_start3A_79 = arith.constant 0 : i32
    %dma_start3A_80 = tpu.memref_slice %arg11[%dma_start3A_77, %dma_start3A_78, %dma_start3A_79] : memref<4x208x64xf32, #tpu.memory_space<vmem>> -> memref<1x104x64xf32, #tpu.memory_space<vmem>>
    %dma_start3A_81 = tpu.memref_squeeze %dma_start3A_80 : memref<1x104x64xf32, #tpu.memory_space<vmem>> -> memref<104x64xf32, #tpu.memory_space<vmem>>
    %dma_start3A_82 = arith.constant 728 : i32
    %dma_start3A_83 = tpu.memref_slice %arg10[%dma_start3A_82] : memref<16640xi32, #tpu.memory_space<vmem>> -> memref<104xi32, #tpu.memory_space<vmem>>
    %dma_start3A_84 = arith.constant 0 : i32
    %dma_start3A_85 = arith.constant 0 : i32
    %dma_start3A_86 = tpu.memref_slice %arg3[%dma_start3A_84, %dma_start3A_85] : memref<26000x64xf32, #tpu.memory_space<hbm>> -> memref<26000x64xf32, #tpu.memory_space<hbm>>
    tpu.enqueue_indirect_dma source(%dma_start3A_86 : memref<26000x64xf32, #tpu.memory_space<hbm>>) target(%dma_start3A_81 : memref<104x64xf32, #tpu.memory_space<vmem>>) offsets(%dma_start3A_83 : memref<104xi32, #tpu.memory_space<vmem>>) semaphore(%arg15 : memref<!tpu.dma_semaphore, #tpu.memory_space<semaphore_mem>>)
    %scan3A_87 = arith.constant 0 : i32
    %scan3A_88 = arith.constant 0 : i32
    %scan3A_89 = arith.constant 20 : i32
    %scan3A_90 = arith.addi %scan3A_88, %scan3A_89 : i32
    %scan3A_91 = arith.constant 1 : i32
    scf.for %scan3A_93 = %scan3A_88 to %scan3A_90 step %scan3A_91  : i32 {
      %mul3A_94 = arith.constant 4 : i32
      %mul3A_95 = arith.muli %scan3A_93, %mul3A_94 : i32
      %add3A_96 = arith.constant 0 : i32
      %add3A_97 = arith.addi %mul3A_95, %add3A_96 : i32
      %dma_wait3A = arith.constant 0 : i32
      %dma_wait3A_98 = arith.constant 0 : i32
      %dma_wait3A_99 = arith.constant 0 : i32
      %dma_wait3A_100 = tpu.memref_slice %arg11[%dma_wait3A, %dma_wait3A_98, %dma_wait3A_99] : memref<4x208x64xf32, #tpu.memory_space<vmem>> -> memref<1x104x64xf32, #tpu.memory_space<vmem>>
      %dma_wait3A_101 = tpu.memref_squeeze %dma_wait3A_100 : memref<1x104x64xf32, #tpu.memory_space<vmem>> -> memref<104x64xf32, #tpu.memory_space<vmem>>
      %dma_wait3A_102 = arith.constant 0 : i32
      %dma_wait3A_103 = arith.constant 0 : i32
      %dma_wait3A_104 = tpu.memref_slice %arg3[%dma_wait3A_102, %dma_wait3A_103] : memref<26000x64xf32, #tpu.memory_space<hbm>> -> memref<104x64xf32, #tpu.memory_space<hbm>>
      %dma_wait3A_105 = arith.constant 0 : i32
      %dma_wait3A_106 = arith.constant 0 : i32
      %dma_wait3A_107 = tpu.memref_slice %arg11[%dma_wait3A, %dma_wait3A_105, %dma_wait3A_106] : memref<4x208x64xf32, #tpu.memory_space<vmem>> -> memref<1x104x64xf32, #tpu.memory_space<vmem>>
      %dma_wait3A_108 = tpu.memref_squeeze %dma_wait3A_107 : memref<1x104x64xf32, #tpu.memory_space<vmem>> -> memref<104x64xf32, #tpu.memory_space<vmem>>
      %dma_wait3A_109 = arith.constant 0 : i32
      %dma_wait3A_110 = arith.constant 0 : i32
      %dma_wait3A_111 = tpu.memref_slice %arg3[%dma_wait3A_109, %dma_wait3A_110] : memref<26000x64xf32, #tpu.memory_space<hbm>> -> memref<104x64xf32, #tpu.memory_space<hbm>>
      tpu.wait_dma2 semaphore(%arg12 : memref<!tpu.dma_semaphore, #tpu.memory_space<semaphore_mem>>) src(%dma_wait3A_111 : memref<104x64xf32, #tpu.memory_space<hbm>>) dst(%dma_wait3A_108 : memref<104x64xf32, #tpu.memory_space<vmem>>)
      %dma_wait3A_112 = arith.constant 0 : i32
      %dma_wait3A_113 = arith.constant 104 : i32
      %dma_wait3A_114 = arith.constant 0 : i32
      %dma_wait3A_115 = tpu.memref_slice %arg11[%dma_wait3A_112, %dma_wait3A_113, %dma_wait3A_114] : memref<4x208x64xf32, #tpu.memory_space<vmem>> -> memref<1x104x64xf32, #tpu.memory_space<vmem>>
      %dma_wait3A_116 = tpu.memref_squeeze %dma_wait3A_115 : memref<1x104x64xf32, #tpu.memory_space<vmem>> -> memref<104x64xf32, #tpu.memory_space<vmem>>
      %dma_wait3A_117 = arith.constant 0 : i32
      %dma_wait3A_118 = arith.constant 0 : i32
      %dma_wait3A_119 = tpu.memref_slice %arg3[%dma_wait3A_117, %dma_wait3A_118] : memref<26000x64xf32, #tpu.memory_space<hbm>> -> memref<104x64xf32, #tpu.memory_space<hbm>>
      %dma_wait3A_120 = arith.constant 104 : i32
      %dma_wait3A_121 = arith.constant 0 : i32
      %dma_wait3A_122 = tpu.memref_slice %arg11[%dma_wait3A_112, %dma_wait3A_120, %dma_wait3A_121] : memref<4x208x64xf32, #tpu.memory_space<vmem>> -> memref<1x104x64xf32, #tpu.memory_space<vmem>>
      %dma_wait3A_123 = tpu.memref_squeeze %dma_wait3A_122 : memref<1x104x64xf32, #tpu.memory_space<vmem>> -> memref<104x64xf32, #tpu.memory_space<vmem>>
      %dma_wait3A_124 = arith.constant 0 : i32
      %dma_wait3A_125 = arith.constant 0 : i32
      %dma_wait3A_126 = tpu.memref_slice %arg3[%dma_wait3A_124, %dma_wait3A_125] : memref<26000x64xf32, #tpu.memory_space<hbm>> -> memref<104x64xf32, #tpu.memory_space<hbm>>
      tpu.wait_dma2 semaphore(%arg12 : memref<!tpu.dma_semaphore, #tpu.memory_space<semaphore_mem>>) src(%dma_wait3A_126 : memref<104x64xf32, #tpu.memory_space<hbm>>) dst(%dma_wait3A_123 : memref<104x64xf32, #tpu.memory_space<vmem>>)
      %jit3A = arith.constant 20 : i32
      %eq3A = arith.constant 0 : i32
      %eq3A_127 = arith.cmpi eq, %jit3A, %eq3A : i32
      %jit3A_128 = arith.constant 1 : i32
      %select_n3A = arith.select %eq3A_127, %jit3A_128, %jit3A : i32
      %rem3A = arith.remsi %add3A_97, %select_n3A : i32
      %ne3A = arith.constant 0 : i32
      %ne3A_129 = arith.cmpi ne, %rem3A, %ne3A : i32
      %lt3A = arith.constant 0 : i32
      %lt3A_130 = arith.cmpi slt, %rem3A, %lt3A : i32
      %lt3A_131 = arith.constant 0 : i32
      %lt3A_132 = arith.cmpi slt, %select_n3A, %lt3A_131 : i32
      %ne3A_133 = arith.xori %lt3A_130, %lt3A_132 : i1
      %and3A = arith.andi %ne3A_133, %ne3A_129 : i1
      %add3A_134 = arith.addi %rem3A, %select_n3A : i32
      %select_n3A_135 = arith.select %and3A, %add3A_134, %rem3A : i32
      %mul3A_136 = arith.constant 128 : i32
      %mul3A_137 = arith.muli %select_n3A_135, %mul3A_136 : i32
      %mul3A_138 = arith.constant 4 : i32
      %mul3A_139 = arith.muli %add3A, %mul3A_138 : i32
      %add3A_140 = arith.addi %mul3A_137, %mul3A_139 : i32
      %jit3A_141 = arith.constant 20 : i32
      %div3A = arith.divsi %add3A_97, %jit3A_141 : i32
      %sign3A = arith.constant 0 : i32
      %sign3A_142 = arith.cmpi sgt, %add3A_97, %sign3A : i32
      %sign3A_143 = arith.extui %sign3A_142 : i1 to i32
      %sign3A_144 = arith.constant 0 : i32
      %sign3A_145 = arith.cmpi slt, %add3A_97, %sign3A_144 : i32
      %sign3A_146 = arith.extui %sign3A_145 : i1 to i32
      %sign3A_147 = arith.subi %sign3A_143, %sign3A_146 : i32
      %sign3A_148 = arith.constant 0 : i32
      %sign3A_149 = arith.cmpi sgt, %jit3A_141, %sign3A_148 : i32
      %sign3A_150 = arith.extui %sign3A_149 : i1 to i32
      %sign3A_151 = arith.constant 0 : i32
      %sign3A_152 = arith.cmpi slt, %jit3A_141, %sign3A_151 : i32
      %sign3A_153 = arith.extui %sign3A_152 : i1 to i32
      %sign3A_154 = arith.subi %sign3A_150, %sign3A_153 : i32
      %ne3A_155 = arith.cmpi ne, %sign3A_147, %sign3A_154 : i32
      %rem3A_156 = arith.remsi %add3A_97, %jit3A_141 : i32
      %ne3A_157 = arith.constant 0 : i32
      %ne3A_158 = arith.cmpi ne, %rem3A_156, %ne3A_157 : i32
      %and3A_159 = arith.andi %ne3A_155, %ne3A_158 : i1
      %sub3A = arith.constant 1 : i32
      %sub3A_160 = arith.subi %div3A, %sub3A : i32
      %select_n3A_161 = arith.select %and3A_159, %sub3A_160, %div3A : i32
      %add3A_162 = arith.addi %add3A_140, %select_n3A_161 : i32
      %mul3A_163 = arith.constant 208 : i32
      %mul3A_164 = arith.muli %add3A_162, %mul3A_163 : i32
      %dma_start3A_165 = arith.constant 0 : i32
      %dma_start3A_166 = arith.constant 0 : i32
      %dma_start3A_167 = arith.constant 0 : i32
      %dma_start3A_168 = tpu.memref_slice %arg11[%dma_start3A_165, %dma_start3A_166, %dma_start3A_167] : memref<4x208x64xf32, #tpu.memory_space<vmem>> -> memref<1x208x64xf32, #tpu.memory_space<vmem>>
      %dma_start3A_169 = tpu.memref_squeeze %dma_start3A_168 : memref<1x208x64xf32, #tpu.memory_space<vmem>> -> memref<208x64xf32, #tpu.memory_space<vmem>>
      %dma_start3A_170 = arith.constant 0 : i32
      %dma_start3A_171 = tpu.memref_slice %arg6[%mul3A_164, %dma_start3A_170] : memref<532480x64xf32, #tpu.memory_space<hbm>> -> memref<208x64xf32, #tpu.memory_space<hbm>>
      %dma_start3A_172 = arith.constant 0 : i32
      %dma_start3A_173 = tpu.memref_slice %arg6[%mul3A_164, %dma_start3A_172] : memref<532480x64xf32, #tpu.memory_space<hbm>> -> memref<208x64xf32, #tpu.memory_space<hbm>>
      %dma_start3A_174 = arith.constant 0 : i32
      %dma_start3A_175 = arith.constant 0 : i32
      %dma_start3A_176 = tpu.memref_slice %arg11[%dma_start3A_165, %dma_start3A_174, %dma_start3A_175] : memref<4x208x64xf32, #tpu.memory_space<vmem>> -> memref<1x208x64xf32, #tpu.memory_space<vmem>>
      %dma_start3A_177 = tpu.memref_squeeze %dma_start3A_176 : memref<1x208x64xf32, #tpu.memory_space<vmem>> -> memref<208x64xf32, #tpu.memory_space<vmem>>
      tpu.enqueue_dma source(%dma_start3A_177 : memref<208x64xf32, #tpu.memory_space<vmem>>) target(%dma_start3A_173 : memref<208x64xf32, #tpu.memory_space<hbm>>) target_semaphore(%arg16 : memref<!tpu.dma_semaphore, #tpu.memory_space<semaphore_mem>>)
      %dma_wait3A_178 = arith.constant 0 : i32
      %dma_wait3A_179 = arith.constant 0 : i32
      %dma_wait3A_180 = arith.constant 0 : i32
      %dma_wait3A_181 = tpu.memref_slice %arg11[%dma_wait3A_178, %dma_wait3A_179, %dma_wait3A_180] : memref<4x208x64xf32, #tpu.memory_space<vmem>> -> memref<1x208x64xf32, #tpu.memory_space<vmem>>
      %dma_wait3A_182 = tpu.memref_squeeze %dma_wait3A_181 : memref<1x208x64xf32, #tpu.memory_space<vmem>> -> memref<208x64xf32, #tpu.memory_space<vmem>>
      %dma_wait3A_183 = arith.constant 0 : i32
      %dma_wait3A_184 = arith.constant 0 : i32
      %dma_wait3A_185 = tpu.memref_slice %arg6[%dma_wait3A_183, %dma_wait3A_184] : memref<532480x64xf32, #tpu.memory_space<hbm>> -> memref<208x64xf32, #tpu.memory_space<hbm>>
      %dma_wait3A_186 = arith.constant 0 : i32
      %dma_wait3A_187 = arith.constant 0 : i32
      %dma_wait3A_188 = tpu.memref_slice %arg6[%dma_wait3A_186, %dma_wait3A_187] : memref<532480x64xf32, #tpu.memory_space<hbm>> -> memref<208x64xf32, #tpu.memory_space<hbm>>
      %dma_wait3A_189 = arith.constant 0 : i32
      %dma_wait3A_190 = arith.constant 0 : i32
      %dma_wait3A_191 = tpu.memref_slice %arg11[%dma_wait3A_178, %dma_wait3A_189, %dma_wait3A_190] : memref<4x208x64xf32, #tpu.memory_space<vmem>> -> memref<1x208x64xf32, #tpu.memory_space<vmem>>
      %dma_wait3A_192 = tpu.memref_squeeze %dma_wait3A_191 : memref<1x208x64xf32, #tpu.memory_space<vmem>> -> memref<208x64xf32, #tpu.memory_space<vmem>>
      tpu.wait_dma2 semaphore(%arg16 : memref<!tpu.dma_semaphore, #tpu.memory_space<semaphore_mem>>) src(%dma_wait3A_192 : memref<208x64xf32, #tpu.memory_space<vmem>>) dst(%dma_wait3A_188 : memref<208x64xf32, #tpu.memory_space<hbm>>)
      %add3A_193 = arith.constant 4 : i32
      %add3A_194 = arith.addi %add3A_97, %add3A_193 : i32
      %lt3A_195 = arith.constant 80 : i32
      %lt3A_196 = arith.cmpi slt, %add3A_194, %lt3A_195 : i32
      %convert_element_type3A = arith.extui %lt3A_196 : i1 to i32
      %cond3A = arith.constant 0 : i32
      %cond3A_197 = arith.cmpi ne, %convert_element_type3A, %cond3A : i32
      scf.if %cond3A_197 {
        %add3A_549 = arith.constant 4 : i32
        %add3A_550 = arith.addi %add3A_97, %add3A_549 : i32
        %mul3A_551 = arith.constant 208 : i32
        %mul3A_552 = arith.muli %add3A_550, %mul3A_551 : i32
        %add3A_553 = arith.constant 0 : i32
        %add3A_554 = arith.addi %mul3A_552, %add3A_553 : i32
        %dma_start3A_555 = arith.constant 0 : i32
        %dma_start3A_556 = arith.constant 0 : i32
        %dma_start3A_557 = arith.constant 0 : i32
        %dma_start3A_558 = tpu.memref_slice %arg11[%dma_start3A_555, %dma_start3A_556, %dma_start3A_557] : memref<4x208x64xf32, #tpu.memory_space<vmem>> -> memref<1x104x64xf32, #tpu.memory_space<vmem>>
        %dma_start3A_559 = tpu.memref_squeeze %dma_start3A_558 : memref<1x104x64xf32, #tpu.memory_space<vmem>> -> memref<104x64xf32, #tpu.memory_space<vmem>>
        %dma_start3A_560 = tpu.memref_slice %arg10[%add3A_554] : memref<16640xi32, #tpu.memory_space<vmem>> -> memref<104xi32, #tpu.memory_space<vmem>>
        %dma_start3A_561 = arith.constant 0 : i32
        %dma_start3A_562 = arith.constant 0 : i32
        %dma_start3A_563 = tpu.memref_slice %arg3[%dma_start3A_561, %dma_start3A_562] : memref<26000x64xf32, #tpu.memory_space<hbm>> -> memref<26000x64xf32, #tpu.memory_space<hbm>>
        tpu.enqueue_indirect_dma source(%dma_start3A_563 : memref<26000x64xf32, #tpu.memory_space<hbm>>) target(%dma_start3A_559 : memref<104x64xf32, #tpu.memory_space<vmem>>) offsets(%dma_start3A_560 : memref<104xi32, #tpu.memory_space<vmem>>) semaphore(%arg12 : memref<!tpu.dma_semaphore, #tpu.memory_space<semaphore_mem>>)
        %mul3A_564 = arith.constant 208 : i32
        %mul3A_565 = arith.muli %add3A_550, %mul3A_564 : i32
        %add3A_566 = arith.constant 104 : i32
        %add3A_567 = arith.addi %mul3A_565, %add3A_566 : i32
        %dma_start3A_568 = arith.constant 0 : i32
        %dma_start3A_569 = arith.constant 104 : i32
        %dma_start3A_570 = arith.constant 0 : i32
        %dma_start3A_571 = tpu.memref_slice %arg11[%dma_start3A_568, %dma_start3A_569, %dma_start3A_570] : memref<4x208x64xf32, #tpu.memory_space<vmem>> -> memref<1x104x64xf32, #tpu.memory_space<vmem>>
        %dma_start3A_572 = tpu.memref_squeeze %dma_start3A_571 : memref<1x104x64xf32, #tpu.memory_space<vmem>> -> memref<104x64xf32, #tpu.memory_space<vmem>>
        %dma_start3A_573 = tpu.memref_slice %arg10[%add3A_567] : memref<16640xi32, #tpu.memory_space<vmem>> -> memref<104xi32, #tpu.memory_space<vmem>>
        %dma_start3A_574 = arith.constant 0 : i32
        %dma_start3A_575 = arith.constant 0 : i32
        %dma_start3A_576 = tpu.memref_slice %arg3[%dma_start3A_574, %dma_start3A_575] : memref<26000x64xf32, #tpu.memory_space<hbm>> -> memref<26000x64xf32, #tpu.memory_space<hbm>>
        tpu.enqueue_indirect_dma source(%dma_start3A_576 : memref<26000x64xf32, #tpu.memory_space<hbm>>) target(%dma_start3A_572 : memref<104x64xf32, #tpu.memory_space<vmem>>) offsets(%dma_start3A_573 : memref<104xi32, #tpu.memory_space<vmem>>) semaphore(%arg12 : memref<!tpu.dma_semaphore, #tpu.memory_space<semaphore_mem>>)
      } else {
      }
      %mul3A_198 = arith.constant 4 : i32
      %mul3A_199 = arith.muli %scan3A_93, %mul3A_198 : i32
      %add3A_200 = arith.constant 1 : i32
      %add3A_201 = arith.addi %mul3A_199, %add3A_200 : i32
      %dma_wait3A_202 = arith.constant 1 : i32
      %dma_wait3A_203 = arith.constant 0 : i32
      %dma_wait3A_204 = arith.constant 0 : i32
      %dma_wait3A_205 = tpu.memref_slice %arg11[%dma_wait3A_202, %dma_wait3A_203, %dma_wait3A_204] : memref<4x208x64xf32, #tpu.memory_space<vmem>> -> memref<1x104x64xf32, #tpu.memory_space<vmem>>
      %dma_wait3A_206 = tpu.memref_squeeze %dma_wait3A_205 : memref<1x104x64xf32, #tpu.memory_space<vmem>> -> memref<104x64xf32, #tpu.memory_space<vmem>>
      %dma_wait3A_207 = arith.constant 0 : i32
      %dma_wait3A_208 = arith.constant 0 : i32
      %dma_wait3A_209 = tpu.memref_slice %arg3[%dma_wait3A_207, %dma_wait3A_208] : memref<26000x64xf32, #tpu.memory_space<hbm>> -> memref<104x64xf32, #tpu.memory_space<hbm>>
      %dma_wait3A_210 = arith.constant 0 : i32
      %dma_wait3A_211 = arith.constant 0 : i32
      %dma_wait3A_212 = tpu.memref_slice %arg11[%dma_wait3A_202, %dma_wait3A_210, %dma_wait3A_211] : memref<4x208x64xf32, #tpu.memory_space<vmem>> -> memref<1x104x64xf32, #tpu.memory_space<vmem>>
      %dma_wait3A_213 = tpu.memref_squeeze %dma_wait3A_212 : memref<1x104x64xf32, #tpu.memory_space<vmem>> -> memref<104x64xf32, #tpu.memory_space<vmem>>
      %dma_wait3A_214 = arith.constant 0 : i32
      %dma_wait3A_215 = arith.constant 0 : i32
      %dma_wait3A_216 = tpu.memref_slice %arg3[%dma_wait3A_214, %dma_wait3A_215] : memref<26000x64xf32, #tpu.memory_space<hbm>> -> memref<104x64xf32, #tpu.memory_space<hbm>>
      tpu.wait_dma2 semaphore(%arg13 : memref<!tpu.dma_semaphore, #tpu.memory_space<semaphore_mem>>) src(%dma_wait3A_216 : memref<104x64xf32, #tpu.memory_space<hbm>>) dst(%dma_wait3A_213 : memref<104x64xf32, #tpu.memory_space<vmem>>)
      %dma_wait3A_217 = arith.constant 1 : i32
      %dma_wait3A_218 = arith.constant 104 : i32
      %dma_wait3A_219 = arith.constant 0 : i32
      %dma_wait3A_220 = tpu.memref_slice %arg11[%dma_wait3A_217, %dma_wait3A_218, %dma_wait3A_219] : memref<4x208x64xf32, #tpu.memory_space<vmem>> -> memref<1x104x64xf32, #tpu.memory_space<vmem>>
      %dma_wait3A_221 = tpu.memref_squeeze %dma_wait3A_220 : memref<1x104x64xf32, #tpu.memory_space<vmem>> -> memref<104x64xf32, #tpu.memory_space<vmem>>
      %dma_wait3A_222 = arith.constant 0 : i32
      %dma_wait3A_223 = arith.constant 0 : i32
      %dma_wait3A_224 = tpu.memref_slice %arg3[%dma_wait3A_222, %dma_wait3A_223] : memref<26000x64xf32, #tpu.memory_space<hbm>> -> memref<104x64xf32, #tpu.memory_space<hbm>>
      %dma_wait3A_225 = arith.constant 104 : i32
      %dma_wait3A_226 = arith.constant 0 : i32
      %dma_wait3A_227 = tpu.memref_slice %arg11[%dma_wait3A_217, %dma_wait3A_225, %dma_wait3A_226] : memref<4x208x64xf32, #tpu.memory_space<vmem>> -> memref<1x104x64xf32, #tpu.memory_space<vmem>>
      %dma_wait3A_228 = tpu.memref_squeeze %dma_wait3A_227 : memref<1x104x64xf32, #tpu.memory_space<vmem>> -> memref<104x64xf32, #tpu.memory_space<vmem>>
      %dma_wait3A_229 = arith.constant 0 : i32
      %dma_wait3A_230 = arith.constant 0 : i32
      %dma_wait3A_231 = tpu.memref_slice %arg3[%dma_wait3A_229, %dma_wait3A_230] : memref<26000x64xf32, #tpu.memory_space<hbm>> -> memref<104x64xf32, #tpu.memory_space<hbm>>
      tpu.wait_dma2 semaphore(%arg13 : memref<!tpu.dma_semaphore, #tpu.memory_space<semaphore_mem>>) src(%dma_wait3A_231 : memref<104x64xf32, #tpu.memory_space<hbm>>) dst(%dma_wait3A_228 : memref<104x64xf32, #tpu.memory_space<vmem>>)
      %jit3A_232 = arith.constant 20 : i32
      %eq3A_233 = arith.constant 0 : i32
      %eq3A_234 = arith.cmpi eq, %jit3A_232, %eq3A_233 : i32
      %jit3A_235 = arith.constant 1 : i32
      %select_n3A_236 = arith.select %eq3A_234, %jit3A_235, %jit3A_232 : i32
      %rem3A_237 = arith.remsi %add3A_201, %select_n3A_236 : i32
      %ne3A_238 = arith.constant 0 : i32
      %ne3A_239 = arith.cmpi ne, %rem3A_237, %ne3A_238 : i32
      %lt3A_240 = arith.constant 0 : i32
      %lt3A_241 = arith.cmpi slt, %rem3A_237, %lt3A_240 : i32
      %lt3A_242 = arith.constant 0 : i32
      %lt3A_243 = arith.cmpi slt, %select_n3A_236, %lt3A_242 : i32
      %ne3A_244 = arith.xori %lt3A_241, %lt3A_243 : i1
      %and3A_245 = arith.andi %ne3A_244, %ne3A_239 : i1
      %add3A_246 = arith.addi %rem3A_237, %select_n3A_236 : i32
      %select_n3A_247 = arith.select %and3A_245, %add3A_246, %rem3A_237 : i32
      %mul3A_248 = arith.constant 128 : i32
      %mul3A_249 = arith.muli %select_n3A_247, %mul3A_248 : i32
      %mul3A_250 = arith.constant 4 : i32
      %mul3A_251 = arith.muli %add3A, %mul3A_250 : i32
      %add3A_252 = arith.addi %mul3A_249, %mul3A_251 : i32
      %jit3A_253 = arith.constant 20 : i32
      %div3A_254 = arith.divsi %add3A_201, %jit3A_253 : i32
      %sign3A_255 = arith.constant 0 : i32
      %sign3A_256 = arith.cmpi sgt, %add3A_201, %sign3A_255 : i32
      %sign3A_257 = arith.extui %sign3A_256 : i1 to i32
      %sign3A_258 = arith.constant 0 : i32
      %sign3A_259 = arith.cmpi slt, %add3A_201, %sign3A_258 : i32
      %sign3A_260 = arith.extui %sign3A_259 : i1 to i32
      %sign3A_261 = arith.subi %sign3A_257, %sign3A_260 : i32
      %sign3A_262 = arith.constant 0 : i32
      %sign3A_263 = arith.cmpi sgt, %jit3A_253, %sign3A_262 : i32
      %sign3A_264 = arith.extui %sign3A_263 : i1 to i32
      %sign3A_265 = arith.constant 0 : i32
      %sign3A_266 = arith.cmpi slt, %jit3A_253, %sign3A_265 : i32
      %sign3A_267 = arith.extui %sign3A_266 : i1 to i32
      %sign3A_268 = arith.subi %sign3A_264, %sign3A_267 : i32
      %ne3A_269 = arith.cmpi ne, %sign3A_261, %sign3A_268 : i32
      %rem3A_270 = arith.remsi %add3A_201, %jit3A_253 : i32
      %ne3A_271 = arith.constant 0 : i32
      %ne3A_272 = arith.cmpi ne, %rem3A_270, %ne3A_271 : i32
      %and3A_273 = arith.andi %ne3A_269, %ne3A_272 : i1
      %sub3A_274 = arith.constant 1 : i32
      %sub3A_275 = arith.subi %div3A_254, %sub3A_274 : i32
      %select_n3A_276 = arith.select %and3A_273, %sub3A_275, %div3A_254 : i32
      %add3A_277 = arith.addi %add3A_252, %select_n3A_276 : i32
      %mul3A_278 = arith.constant 208 : i32
      %mul3A_279 = arith.muli %add3A_277, %mul3A_278 : i32
      %dma_start3A_280 = arith.constant 1 : i32
      %dma_start3A_281 = arith.constant 0 : i32
      %dma_start3A_282 = arith.constant 0 : i32
      %dma_start3A_283 = tpu.memref_slice %arg11[%dma_start3A_280, %dma_start3A_281, %dma_start3A_282] : memref<4x208x64xf32, #tpu.memory_space<vmem>> -> memref<1x208x64xf32, #tpu.memory_space<vmem>>
      %dma_start3A_284 = tpu.memref_squeeze %dma_start3A_283 : memref<1x208x64xf32, #tpu.memory_space<vmem>> -> memref<208x64xf32, #tpu.memory_space<vmem>>
      %dma_start3A_285 = arith.constant 0 : i32
      %dma_start3A_286 = tpu.memref_slice %arg6[%mul3A_279, %dma_start3A_285] : memref<532480x64xf32, #tpu.memory_space<hbm>> -> memref<208x64xf32, #tpu.memory_space<hbm>>
      %dma_start3A_287 = arith.constant 0 : i32
      %dma_start3A_288 = tpu.memref_slice %arg6[%mul3A_279, %dma_start3A_287] : memref<532480x64xf32, #tpu.memory_space<hbm>> -> memref<208x64xf32, #tpu.memory_space<hbm>>
      %dma_start3A_289 = arith.constant 0 : i32
      %dma_start3A_290 = arith.constant 0 : i32
      %dma_start3A_291 = tpu.memref_slice %arg11[%dma_start3A_280, %dma_start3A_289, %dma_start3A_290] : memref<4x208x64xf32, #tpu.memory_space<vmem>> -> memref<1x208x64xf32, #tpu.memory_space<vmem>>
      %dma_start3A_292 = tpu.memref_squeeze %dma_start3A_291 : memref<1x208x64xf32, #tpu.memory_space<vmem>> -> memref<208x64xf32, #tpu.memory_space<vmem>>
      tpu.enqueue_dma source(%dma_start3A_292 : memref<208x64xf32, #tpu.memory_space<vmem>>) target(%dma_start3A_288 : memref<208x64xf32, #tpu.memory_space<hbm>>) target_semaphore(%arg17 : memref<!tpu.dma_semaphore, #tpu.memory_space<semaphore_mem>>)
      %dma_wait3A_293 = arith.constant 1 : i32
      %dma_wait3A_294 = arith.constant 0 : i32
      %dma_wait3A_295 = arith.constant 0 : i32
      %dma_wait3A_296 = tpu.memref_slice %arg11[%dma_wait3A_293, %dma_wait3A_294, %dma_wait3A_295] : memref<4x208x64xf32, #tpu.memory_space<vmem>> -> memref<1x208x64xf32, #tpu.memory_space<vmem>>
      %dma_wait3A_297 = tpu.memref_squeeze %dma_wait3A_296 : memref<1x208x64xf32, #tpu.memory_space<vmem>> -> memref<208x64xf32, #tpu.memory_space<vmem>>
      %dma_wait3A_298 = arith.constant 0 : i32
      %dma_wait3A_299 = arith.constant 0 : i32
      %dma_wait3A_300 = tpu.memref_slice %arg6[%dma_wait3A_298, %dma_wait3A_299] : memref<532480x64xf32, #tpu.memory_space<hbm>> -> memref<208x64xf32, #tpu.memory_space<hbm>>
      %dma_wait3A_301 = arith.constant 0 : i32
      %dma_wait3A_302 = arith.constant 0 : i32
      %dma_wait3A_303 = tpu.memref_slice %arg6[%dma_wait3A_301, %dma_wait3A_302] : memref<532480x64xf32, #tpu.memory_space<hbm>> -> memref<208x64xf32, #tpu.memory_space<hbm>>
      %dma_wait3A_304 = arith.constant 0 : i32
      %dma_wait3A_305 = arith.constant 0 : i32
      %dma_wait3A_306 = tpu.memref_slice %arg11[%dma_wait3A_293, %dma_wait3A_304, %dma_wait3A_305] : memref<4x208x64xf32, #tpu.memory_space<vmem>> -> memref<1x208x64xf32, #tpu.memory_space<vmem>>
      %dma_wait3A_307 = tpu.memref_squeeze %dma_wait3A_306 : memref<1x208x64xf32, #tpu.memory_space<vmem>> -> memref<208x64xf32, #tpu.memory_space<vmem>>
      tpu.wait_dma2 semaphore(%arg17 : memref<!tpu.dma_semaphore, #tpu.memory_space<semaphore_mem>>) src(%dma_wait3A_307 : memref<208x64xf32, #tpu.memory_space<vmem>>) dst(%dma_wait3A_303 : memref<208x64xf32, #tpu.memory_space<hbm>>)
      %add3A_308 = arith.constant 4 : i32
      %add3A_309 = arith.addi %add3A_201, %add3A_308 : i32
      %lt3A_310 = arith.constant 80 : i32
      %lt3A_311 = arith.cmpi slt, %add3A_309, %lt3A_310 : i32
      %convert_element_type3A_312 = arith.extui %lt3A_311 : i1 to i32
      %cond3A_313 = arith.constant 0 : i32
      %cond3A_314 = arith.cmpi ne, %convert_element_type3A_312, %cond3A_313 : i32
      scf.if %cond3A_314 {
        %add3A_549 = arith.constant 4 : i32
        %add3A_550 = arith.addi %add3A_201, %add3A_549 : i32
        %mul3A_551 = arith.constant 208 : i32
        %mul3A_552 = arith.muli %add3A_550, %mul3A_551 : i32
        %add3A_553 = arith.constant 0 : i32
        %add3A_554 = arith.addi %mul3A_552, %add3A_553 : i32
        %dma_start3A_555 = arith.constant 1 : i32
        %dma_start3A_556 = arith.constant 0 : i32
        %dma_start3A_557 = arith.constant 0 : i32
        %dma_start3A_558 = tpu.memref_slice %arg11[%dma_start3A_555, %dma_start3A_556, %dma_start3A_557] : memref<4x208x64xf32, #tpu.memory_space<vmem>> -> memref<1x104x64xf32, #tpu.memory_space<vmem>>
        %dma_start3A_559 = tpu.memref_squeeze %dma_start3A_558 : memref<1x104x64xf32, #tpu.memory_space<vmem>> -> memref<104x64xf32, #tpu.memory_space<vmem>>
        %dma_start3A_560 = tpu.memref_slice %arg10[%add3A_554] : memref<16640xi32, #tpu.memory_space<vmem>> -> memref<104xi32, #tpu.memory_space<vmem>>
        %dma_start3A_561 = arith.constant 0 : i32
        %dma_start3A_562 = arith.constant 0 : i32
        %dma_start3A_563 = tpu.memref_slice %arg3[%dma_start3A_561, %dma_start3A_562] : memref<26000x64xf32, #tpu.memory_space<hbm>> -> memref<26000x64xf32, #tpu.memory_space<hbm>>
        tpu.enqueue_indirect_dma source(%dma_start3A_563 : memref<26000x64xf32, #tpu.memory_space<hbm>>) target(%dma_start3A_559 : memref<104x64xf32, #tpu.memory_space<vmem>>) offsets(%dma_start3A_560 : memref<104xi32, #tpu.memory_space<vmem>>) semaphore(%arg13 : memref<!tpu.dma_semaphore, #tpu.memory_space<semaphore_mem>>)
        %mul3A_564 = arith.constant 208 : i32
        %mul3A_565 = arith.muli %add3A_550, %mul3A_564 : i32
        %add3A_566 = arith.constant 104 : i32
        %add3A_567 = arith.addi %mul3A_565, %add3A_566 : i32
        %dma_start3A_568 = arith.constant 1 : i32
        %dma_start3A_569 = arith.constant 104 : i32
        %dma_start3A_570 = arith.constant 0 : i32
        %dma_start3A_571 = tpu.memref_slice %arg11[%dma_start3A_568, %dma_start3A_569, %dma_start3A_570] : memref<4x208x64xf32, #tpu.memory_space<vmem>> -> memref<1x104x64xf32, #tpu.memory_space<vmem>>
        %dma_start3A_572 = tpu.memref_squeeze %dma_start3A_571 : memref<1x104x64xf32, #tpu.memory_space<vmem>> -> memref<104x64xf32, #tpu.memory_space<vmem>>
        %dma_start3A_573 = tpu.memref_slice %arg10[%add3A_567] : memref<16640xi32, #tpu.memory_space<vmem>> -> memref<104xi32, #tpu.memory_space<vmem>>
        %dma_start3A_574 = arith.constant 0 : i32
        %dma_start3A_575 = arith.constant 0 : i32
        %dma_start3A_576 = tpu.memref_slice %arg3[%dma_start3A_574, %dma_start3A_575] : memref<26000x64xf32, #tpu.memory_space<hbm>> -> memref<26000x64xf32, #tpu.memory_space<hbm>>
        tpu.enqueue_indirect_dma source(%dma_start3A_576 : memref<26000x64xf32, #tpu.memory_space<hbm>>) target(%dma_start3A_572 : memref<104x64xf32, #tpu.memory_space<vmem>>) offsets(%dma_start3A_573 : memref<104xi32, #tpu.memory_space<vmem>>) semaphore(%arg13 : memref<!tpu.dma_semaphore, #tpu.memory_space<semaphore_mem>>)
      } else {
      }
      %mul3A_315 = arith.constant 4 : i32
      %mul3A_316 = arith.muli %scan3A_93, %mul3A_315 : i32
      %add3A_317 = arith.constant 2 : i32
      %add3A_318 = arith.addi %mul3A_316, %add3A_317 : i32
      %dma_wait3A_319 = arith.constant 2 : i32
      %dma_wait3A_320 = arith.constant 0 : i32
      %dma_wait3A_321 = arith.constant 0 : i32
      %dma_wait3A_322 = tpu.memref_slice %arg11[%dma_wait3A_319, %dma_wait3A_320, %dma_wait3A_321] : memref<4x208x64xf32, #tpu.memory_space<vmem>> -> memref<1x104x64xf32, #tpu.memory_space<vmem>>
      %dma_wait3A_323 = tpu.memref_squeeze %dma_wait3A_322 : memref<1x104x64xf32, #tpu.memory_space<vmem>> -> memref<104x64xf32, #tpu.memory_space<vmem>>
      %dma_wait3A_324 = arith.constant 0 : i32
      %dma_wait3A_325 = arith.constant 0 : i32
      %dma_wait3A_326 = tpu.memref_slice %arg3[%dma_wait3A_324, %dma_wait3A_325] : memref<26000x64xf32, #tpu.memory_space<hbm>> -> memref<104x64xf32, #tpu.memory_space<hbm>>
      %dma_wait3A_327 = arith.constant 0 : i32
      %dma_wait3A_328 = arith.constant 0 : i32
      %dma_wait3A_329 = tpu.memref_slice %arg11[%dma_wait3A_319, %dma_wait3A_327, %dma_wait3A_328] : memref<4x208x64xf32, #tpu.memory_space<vmem>> -> memref<1x104x64xf32, #tpu.memory_space<vmem>>
      %dma_wait3A_330 = tpu.memref_squeeze %dma_wait3A_329 : memref<1x104x64xf32, #tpu.memory_space<vmem>> -> memref<104x64xf32, #tpu.memory_space<vmem>>
      %dma_wait3A_331 = arith.constant 0 : i32
      %dma_wait3A_332 = arith.constant 0 : i32
      %dma_wait3A_333 = tpu.memref_slice %arg3[%dma_wait3A_331, %dma_wait3A_332] : memref<26000x64xf32, #tpu.memory_space<hbm>> -> memref<104x64xf32, #tpu.memory_space<hbm>>
      tpu.wait_dma2 semaphore(%arg14 : memref<!tpu.dma_semaphore, #tpu.memory_space<semaphore_mem>>) src(%dma_wait3A_333 : memref<104x64xf32, #tpu.memory_space<hbm>>) dst(%dma_wait3A_330 : memref<104x64xf32, #tpu.memory_space<vmem>>)
      %dma_wait3A_334 = arith.constant 2 : i32
      %dma_wait3A_335 = arith.constant 104 : i32
      %dma_wait3A_336 = arith.constant 0 : i32
      %dma_wait3A_337 = tpu.memref_slice %arg11[%dma_wait3A_334, %dma_wait3A_335, %dma_wait3A_336] : memref<4x208x64xf32, #tpu.memory_space<vmem>> -> memref<1x104x64xf32, #tpu.memory_space<vmem>>
      %dma_wait3A_338 = tpu.memref_squeeze %dma_wait3A_337 : memref<1x104x64xf32, #tpu.memory_space<vmem>> -> memref<104x64xf32, #tpu.memory_space<vmem>>
      %dma_wait3A_339 = arith.constant 0 : i32
      %dma_wait3A_340 = arith.constant 0 : i32
      %dma_wait3A_341 = tpu.memref_slice %arg3[%dma_wait3A_339, %dma_wait3A_340] : memref<26000x64xf32, #tpu.memory_space<hbm>> -> memref<104x64xf32, #tpu.memory_space<hbm>>
      %dma_wait3A_342 = arith.constant 104 : i32
      %dma_wait3A_343 = arith.constant 0 : i32
      %dma_wait3A_344 = tpu.memref_slice %arg11[%dma_wait3A_334, %dma_wait3A_342, %dma_wait3A_343] : memref<4x208x64xf32, #tpu.memory_space<vmem>> -> memref<1x104x64xf32, #tpu.memory_space<vmem>>
      %dma_wait3A_345 = tpu.memref_squeeze %dma_wait3A_344 : memref<1x104x64xf32, #tpu.memory_space<vmem>> -> memref<104x64xf32, #tpu.memory_space<vmem>>
      %dma_wait3A_346 = arith.constant 0 : i32
      %dma_wait3A_347 = arith.constant 0 : i32
      %dma_wait3A_348 = tpu.memref_slice %arg3[%dma_wait3A_346, %dma_wait3A_347] : memref<26000x64xf32, #tpu.memory_space<hbm>> -> memref<104x64xf32, #tpu.memory_space<hbm>>
      tpu.wait_dma2 semaphore(%arg14 : memref<!tpu.dma_semaphore, #tpu.memory_space<semaphore_mem>>) src(%dma_wait3A_348 : memref<104x64xf32, #tpu.memory_space<hbm>>) dst(%dma_wait3A_345 : memref<104x64xf32, #tpu.memory_space<vmem>>)
      %jit3A_349 = arith.constant 20 : i32
      %eq3A_350 = arith.constant 0 : i32
      %eq3A_351 = arith.cmpi eq, %jit3A_349, %eq3A_350 : i32
      %jit3A_352 = arith.constant 1 : i32
      %select_n3A_353 = arith.select %eq3A_351, %jit3A_352, %jit3A_349 : i32
      %rem3A_354 = arith.remsi %add3A_318, %select_n3A_353 : i32
      %ne3A_355 = arith.constant 0 : i32
      %ne3A_356 = arith.cmpi ne, %rem3A_354, %ne3A_355 : i32
      %lt3A_357 = arith.constant 0 : i32
      %lt3A_358 = arith.cmpi slt, %rem3A_354, %lt3A_357 : i32
      %lt3A_359 = arith.constant 0 : i32
      %lt3A_360 = arith.cmpi slt, %select_n3A_353, %lt3A_359 : i32
      %ne3A_361 = arith.xori %lt3A_358, %lt3A_360 : i1
      %and3A_362 = arith.andi %ne3A_361, %ne3A_356 : i1
      %add3A_363 = arith.addi %rem3A_354, %select_n3A_353 : i32
      %select_n3A_364 = arith.select %and3A_362, %add3A_363, %rem3A_354 : i32
      %mul3A_365 = arith.constant 128 : i32
      %mul3A_366 = arith.muli %select_n3A_364, %mul3A_365 : i32
      %mul3A_367 = arith.constant 4 : i32
      %mul3A_368 = arith.muli %add3A, %mul3A_367 : i32
      %add3A_369 = arith.addi %mul3A_366, %mul3A_368 : i32
      %jit3A_370 = arith.constant 20 : i32
      %div3A_371 = arith.divsi %add3A_318, %jit3A_370 : i32
      %sign3A_372 = arith.constant 0 : i32
      %sign3A_373 = arith.cmpi sgt, %add3A_318, %sign3A_372 : i32
      %sign3A_374 = arith.extui %sign3A_373 : i1 to i32
      %sign3A_375 = arith.constant 0 : i32
      %sign3A_376 = arith.cmpi slt, %add3A_318, %sign3A_375 : i32
      %sign3A_377 = arith.extui %sign3A_376 : i1 to i32
      %sign3A_378 = arith.subi %sign3A_374, %sign3A_377 : i32
      %sign3A_379 = arith.constant 0 : i32
      %sign3A_380 = arith.cmpi sgt, %jit3A_370, %sign3A_379 : i32
      %sign3A_381 = arith.extui %sign3A_380 : i1 to i32
      %sign3A_382 = arith.constant 0 : i32
      %sign3A_383 = arith.cmpi slt, %jit3A_370, %sign3A_382 : i32
      %sign3A_384 = arith.extui %sign3A_383 : i1 to i32
      %sign3A_385 = arith.subi %sign3A_381, %sign3A_384 : i32
      %ne3A_386 = arith.cmpi ne, %sign3A_378, %sign3A_385 : i32
      %rem3A_387 = arith.remsi %add3A_318, %jit3A_370 : i32
      %ne3A_388 = arith.constant 0 : i32
      %ne3A_389 = arith.cmpi ne, %rem3A_387, %ne3A_388 : i32
      %and3A_390 = arith.andi %ne3A_386, %ne3A_389 : i1
      %sub3A_391 = arith.constant 1 : i32
      %sub3A_392 = arith.subi %div3A_371, %sub3A_391 : i32
      %select_n3A_393 = arith.select %and3A_390, %sub3A_392, %div3A_371 : i32
      %add3A_394 = arith.addi %add3A_369, %select_n3A_393 : i32
      %mul3A_395 = arith.constant 208 : i32
      %mul3A_396 = arith.muli %add3A_394, %mul3A_395 : i32
      %dma_start3A_397 = arith.constant 2 : i32
      %dma_start3A_398 = arith.constant 0 : i32
      %dma_start3A_399 = arith.constant 0 : i32
      %dma_start3A_400 = tpu.memref_slice %arg11[%dma_start3A_397, %dma_start3A_398, %dma_start3A_399] : memref<4x208x64xf32, #tpu.memory_space<vmem>> -> memref<1x208x64xf32, #tpu.memory_space<vmem>>
      %dma_start3A_401 = tpu.memref_squeeze %dma_start3A_400 : memref<1x208x64xf32, #tpu.memory_space<vmem>> -> memref<208x64xf32, #tpu.memory_space<vmem>>
      %dma_start3A_402 = arith.constant 0 : i32
      %dma_start3A_403 = tpu.memref_slice %arg6[%mul3A_396, %dma_start3A_402] : memref<532480x64xf32, #tpu.memory_space<hbm>> -> memref<208x64xf32, #tpu.memory_space<hbm>>
      %dma_start3A_404 = arith.constant 0 : i32
      %dma_start3A_405 = tpu.memref_slice %arg6[%mul3A_396, %dma_start3A_404] : memref<532480x64xf32, #tpu.memory_space<hbm>> -> memref<208x64xf32, #tpu.memory_space<hbm>>
      %dma_start3A_406 = arith.constant 0 : i32
      %dma_start3A_407 = arith.constant 0 : i32
      %dma_start3A_408 = tpu.memref_slice %arg11[%dma_start3A_397, %dma_start3A_406, %dma_start3A_407] : memref<4x208x64xf32, #tpu.memory_space<vmem>> -> memref<1x208x64xf32, #tpu.memory_space<vmem>>
      %dma_start3A_409 = tpu.memref_squeeze %dma_start3A_408 : memref<1x208x64xf32, #tpu.memory_space<vmem>> -> memref<208x64xf32, #tpu.memory_space<vmem>>
      tpu.enqueue_dma source(%dma_start3A_409 : memref<208x64xf32, #tpu.memory_space<vmem>>) target(%dma_start3A_405 : memref<208x64xf32, #tpu.memory_space<hbm>>) target_semaphore(%arg18 : memref<!tpu.dma_semaphore, #tpu.memory_space<semaphore_mem>>)
      %dma_wait3A_410 = arith.constant 2 : i32
      %dma_wait3A_411 = arith.constant 0 : i32
      %dma_wait3A_412 = arith.constant 0 : i32
      %dma_wait3A_413 = tpu.memref_slice %arg11[%dma_wait3A_410, %dma_wait3A_411, %dma_wait3A_412] : memref<4x208x64xf32, #tpu.memory_space<vmem>> -> memref<1x208x64xf32, #tpu.memory_space<vmem>>
      %dma_wait3A_414 = tpu.memref_squeeze %dma_wait3A_413 : memref<1x208x64xf32, #tpu.memory_space<vmem>> -> memref<208x64xf32, #tpu.memory_space<vmem>>
      %dma_wait3A_415 = arith.constant 0 : i32
      %dma_wait3A_416 = arith.constant 0 : i32
      %dma_wait3A_417 = tpu.memref_slice %arg6[%dma_wait3A_415, %dma_wait3A_416] : memref<532480x64xf32, #tpu.memory_space<hbm>> -> memref<208x64xf32, #tpu.memory_space<hbm>>
      %dma_wait3A_418 = arith.constant 0 : i32
      %dma_wait3A_419 = arith.constant 0 : i32
      %dma_wait3A_420 = tpu.memref_slice %arg6[%dma_wait3A_418, %dma_wait3A_419] : memref<532480x64xf32, #tpu.memory_space<hbm>> -> memref<208x64xf32, #tpu.memory_space<hbm>>
      %dma_wait3A_421 = arith.constant 0 : i32
      %dma_wait3A_422 = arith.constant 0 : i32
      %dma_wait3A_423 = tpu.memref_slice %arg11[%dma_wait3A_410, %dma_wait3A_421, %dma_wait3A_422] : memref<4x208x64xf32, #tpu.memory_space<vmem>> -> memref<1x208x64xf32, #tpu.memory_space<vmem>>
      %dma_wait3A_424 = tpu.memref_squeeze %dma_wait3A_423 : memref<1x208x64xf32, #tpu.memory_space<vmem>> -> memref<208x64xf32, #tpu.memory_space<vmem>>
      tpu.wait_dma2 semaphore(%arg18 : memref<!tpu.dma_semaphore, #tpu.memory_space<semaphore_mem>>) src(%dma_wait3A_424 : memref<208x64xf32, #tpu.memory_space<vmem>>) dst(%dma_wait3A_420 : memref<208x64xf32, #tpu.memory_space<hbm>>)
      %add3A_425 = arith.constant 4 : i32
      %add3A_426 = arith.addi %add3A_318, %add3A_425 : i32
      %lt3A_427 = arith.constant 80 : i32
      %lt3A_428 = arith.cmpi slt, %add3A_426, %lt3A_427 : i32
      %convert_element_type3A_429 = arith.extui %lt3A_428 : i1 to i32
      %cond3A_430 = arith.constant 0 : i32
      %cond3A_431 = arith.cmpi ne, %convert_element_type3A_429, %cond3A_430 : i32
      scf.if %cond3A_431 {
        %add3A_549 = arith.constant 4 : i32
        %add3A_550 = arith.addi %add3A_318, %add3A_549 : i32
        %mul3A_551 = arith.constant 208 : i32
        %mul3A_552 = arith.muli %add3A_550, %mul3A_551 : i32
        %add3A_553 = arith.constant 0 : i32
        %add3A_554 = arith.addi %mul3A_552, %add3A_553 : i32
        %dma_start3A_555 = arith.constant 2 : i32
        %dma_start3A_556 = arith.constant 0 : i32
        %dma_start3A_557 = arith.constant 0 : i32
        %dma_start3A_558 = tpu.memref_slice %arg11[%dma_start3A_555, %dma_start3A_556, %dma_start3A_557] : memref<4x208x64xf32, #tpu.memory_space<vmem>> -> memref<1x104x64xf32, #tpu.memory_space<vmem>>
        %dma_start3A_559 = tpu.memref_squeeze %dma_start3A_558 : memref<1x104x64xf32, #tpu.memory_space<vmem>> -> memref<104x64xf32, #tpu.memory_space<vmem>>
        %dma_start3A_560 = tpu.memref_slice %arg10[%add3A_554] : memref<16640xi32, #tpu.memory_space<vmem>> -> memref<104xi32, #tpu.memory_space<vmem>>
        %dma_start3A_561 = arith.constant 0 : i32
        %dma_start3A_562 = arith.constant 0 : i32
        %dma_start3A_563 = tpu.memref_slice %arg3[%dma_start3A_561, %dma_start3A_562] : memref<26000x64xf32, #tpu.memory_space<hbm>> -> memref<26000x64xf32, #tpu.memory_space<hbm>>
        tpu.enqueue_indirect_dma source(%dma_start3A_563 : memref<26000x64xf32, #tpu.memory_space<hbm>>) target(%dma_start3A_559 : memref<104x64xf32, #tpu.memory_space<vmem>>) offsets(%dma_start3A_560 : memref<104xi32, #tpu.memory_space<vmem>>) semaphore(%arg14 : memref<!tpu.dma_semaphore, #tpu.memory_space<semaphore_mem>>)
        %mul3A_564 = arith.constant 208 : i32
        %mul3A_565 = arith.muli %add3A_550, %mul3A_564 : i32
        %add3A_566 = arith.constant 104 : i32
        %add3A_567 = arith.addi %mul3A_565, %add3A_566 : i32
        %dma_start3A_568 = arith.constant 2 : i32
        %dma_start3A_569 = arith.constant 104 : i32
        %dma_start3A_570 = arith.constant 0 : i32
        %dma_start3A_571 = tpu.memref_slice %arg11[%dma_start3A_568, %dma_start3A_569, %dma_start3A_570] : memref<4x208x64xf32, #tpu.memory_space<vmem>> -> memref<1x104x64xf32, #tpu.memory_space<vmem>>
        %dma_start3A_572 = tpu.memref_squeeze %dma_start3A_571 : memref<1x104x64xf32, #tpu.memory_space<vmem>> -> memref<104x64xf32, #tpu.memory_space<vmem>>
        %dma_start3A_573 = tpu.memref_slice %arg10[%add3A_567] : memref<16640xi32, #tpu.memory_space<vmem>> -> memref<104xi32, #tpu.memory_space<vmem>>
        %dma_start3A_574 = arith.constant 0 : i32
        %dma_start3A_575 = arith.constant 0 : i32
        %dma_start3A_576 = tpu.memref_slice %arg3[%dma_start3A_574, %dma_start3A_575] : memref<26000x64xf32, #tpu.memory_space<hbm>> -> memref<26000x64xf32, #tpu.memory_space<hbm>>
        tpu.enqueue_indirect_dma source(%dma_start3A_576 : memref<26000x64xf32, #tpu.memory_space<hbm>>) target(%dma_start3A_572 : memref<104x64xf32, #tpu.memory_space<vmem>>) offsets(%dma_start3A_573 : memref<104xi32, #tpu.memory_space<vmem>>) semaphore(%arg14 : memref<!tpu.dma_semaphore, #tpu.memory_space<semaphore_mem>>)
      } else {
      }
      %mul3A_432 = arith.constant 4 : i32
      %mul3A_433 = arith.muli %scan3A_93, %mul3A_432 : i32
      %add3A_434 = arith.constant 3 : i32
      %add3A_435 = arith.addi %mul3A_433, %add3A_434 : i32
      %dma_wait3A_436 = arith.constant 3 : i32
      %dma_wait3A_437 = arith.constant 0 : i32
      %dma_wait3A_438 = arith.constant 0 : i32
      %dma_wait3A_439 = tpu.memref_slice %arg11[%dma_wait3A_436, %dma_wait3A_437, %dma_wait3A_438] : memref<4x208x64xf32, #tpu.memory_space<vmem>> -> memref<1x104x64xf32, #tpu.memory_space<vmem>>
      %dma_wait3A_440 = tpu.memref_squeeze %dma_wait3A_439 : memref<1x104x64xf32, #tpu.memory_space<vmem>> -> memref<104x64xf32, #tpu.memory_space<vmem>>
      %dma_wait3A_441 = arith.constant 0 : i32
      %dma_wait3A_442 = arith.constant 0 : i32
      %dma_wait3A_443 = tpu.memref_slice %arg3[%dma_wait3A_441, %dma_wait3A_442] : memref<26000x64xf32, #tpu.memory_space<hbm>> -> memref<104x64xf32, #tpu.memory_space<hbm>>
      %dma_wait3A_444 = arith.constant 0 : i32
      %dma_wait3A_445 = arith.constant 0 : i32
      %dma_wait3A_446 = tpu.memref_slice %arg11[%dma_wait3A_436, %dma_wait3A_444, %dma_wait3A_445] : memref<4x208x64xf32, #tpu.memory_space<vmem>> -> memref<1x104x64xf32, #tpu.memory_space<vmem>>
      %dma_wait3A_447 = tpu.memref_squeeze %dma_wait3A_446 : memref<1x104x64xf32, #tpu.memory_space<vmem>> -> memref<104x64xf32, #tpu.memory_space<vmem>>
      %dma_wait3A_448 = arith.constant 0 : i32
      %dma_wait3A_449 = arith.constant 0 : i32
      %dma_wait3A_450 = tpu.memref_slice %arg3[%dma_wait3A_448, %dma_wait3A_449] : memref<26000x64xf32, #tpu.memory_space<hbm>> -> memref<104x64xf32, #tpu.memory_space<hbm>>
      tpu.wait_dma2 semaphore(%arg15 : memref<!tpu.dma_semaphore, #tpu.memory_space<semaphore_mem>>) src(%dma_wait3A_450 : memref<104x64xf32, #tpu.memory_space<hbm>>) dst(%dma_wait3A_447 : memref<104x64xf32, #tpu.memory_space<vmem>>)
      %dma_wait3A_451 = arith.constant 3 : i32
      %dma_wait3A_452 = arith.constant 104 : i32
      %dma_wait3A_453 = arith.constant 0 : i32
      %dma_wait3A_454 = tpu.memref_slice %arg11[%dma_wait3A_451, %dma_wait3A_452, %dma_wait3A_453] : memref<4x208x64xf32, #tpu.memory_space<vmem>> -> memref<1x104x64xf32, #tpu.memory_space<vmem>>
      %dma_wait3A_455 = tpu.memref_squeeze %dma_wait3A_454 : memref<1x104x64xf32, #tpu.memory_space<vmem>> -> memref<104x64xf32, #tpu.memory_space<vmem>>
      %dma_wait3A_456 = arith.constant 0 : i32
      %dma_wait3A_457 = arith.constant 0 : i32
      %dma_wait3A_458 = tpu.memref_slice %arg3[%dma_wait3A_456, %dma_wait3A_457] : memref<26000x64xf32, #tpu.memory_space<hbm>> -> memref<104x64xf32, #tpu.memory_space<hbm>>
      %dma_wait3A_459 = arith.constant 104 : i32
      %dma_wait3A_460 = arith.constant 0 : i32
      %dma_wait3A_461 = tpu.memref_slice %arg11[%dma_wait3A_451, %dma_wait3A_459, %dma_wait3A_460] : memref<4x208x64xf32, #tpu.memory_space<vmem>> -> memref<1x104x64xf32, #tpu.memory_space<vmem>>
      %dma_wait3A_462 = tpu.memref_squeeze %dma_wait3A_461 : memref<1x104x64xf32, #tpu.memory_space<vmem>> -> memref<104x64xf32, #tpu.memory_space<vmem>>
      %dma_wait3A_463 = arith.constant 0 : i32
      %dma_wait3A_464 = arith.constant 0 : i32
      %dma_wait3A_465 = tpu.memref_slice %arg3[%dma_wait3A_463, %dma_wait3A_464] : memref<26000x64xf32, #tpu.memory_space<hbm>> -> memref<104x64xf32, #tpu.memory_space<hbm>>
      tpu.wait_dma2 semaphore(%arg15 : memref<!tpu.dma_semaphore, #tpu.memory_space<semaphore_mem>>) src(%dma_wait3A_465 : memref<104x64xf32, #tpu.memory_space<hbm>>) dst(%dma_wait3A_462 : memref<104x64xf32, #tpu.memory_space<vmem>>)
      %jit3A_466 = arith.constant 20 : i32
      %eq3A_467 = arith.constant 0 : i32
      %eq3A_468 = arith.cmpi eq, %jit3A_466, %eq3A_467 : i32
      %jit3A_469 = arith.constant 1 : i32
      %select_n3A_470 = arith.select %eq3A_468, %jit3A_469, %jit3A_466 : i32
      %rem3A_471 = arith.remsi %add3A_435, %select_n3A_470 : i32
      %ne3A_472 = arith.constant 0 : i32
      %ne3A_473 = arith.cmpi ne, %rem3A_471, %ne3A_472 : i32
      %lt3A_474 = arith.constant 0 : i32
      %lt3A_475 = arith.cmpi slt, %rem3A_471, %lt3A_474 : i32
      %lt3A_476 = arith.constant 0 : i32
      %lt3A_477 = arith.cmpi slt, %select_n3A_470, %lt3A_476 : i32
      %ne3A_478 = arith.xori %lt3A_475, %lt3A_477 : i1
      %and3A_479 = arith.andi %ne3A_478, %ne3A_473 : i1
      %add3A_480 = arith.addi %rem3A_471, %select_n3A_470 : i32
      %select_n3A_481 = arith.select %and3A_479, %add3A_480, %rem3A_471 : i32
      %mul3A_482 = arith.constant 128 : i32
      %mul3A_483 = arith.muli %select_n3A_481, %mul3A_482 : i32
      %mul3A_484 = arith.constant 4 : i32
      %mul3A_485 = arith.muli %add3A, %mul3A_484 : i32
      %add3A_486 = arith.addi %mul3A_483, %mul3A_485 : i32
      %jit3A_487 = arith.constant 20 : i32
      %div3A_488 = arith.divsi %add3A_435, %jit3A_487 : i32
      %sign3A_489 = arith.constant 0 : i32
      %sign3A_490 = arith.cmpi sgt, %add3A_435, %sign3A_489 : i32
      %sign3A_491 = arith.extui %sign3A_490 : i1 to i32
      %sign3A_492 = arith.constant 0 : i32
      %sign3A_493 = arith.cmpi slt, %add3A_435, %sign3A_492 : i32
      %sign3A_494 = arith.extui %sign3A_493 : i1 to i32
      %sign3A_495 = arith.subi %sign3A_491, %sign3A_494 : i32
      %sign3A_496 = arith.constant 0 : i32
      %sign3A_497 = arith.cmpi sgt, %jit3A_487, %sign3A_496 : i32
      %sign3A_498 = arith.extui %sign3A_497 : i1 to i32
      %sign3A_499 = arith.constant 0 : i32
      %sign3A_500 = arith.cmpi slt, %jit3A_487, %sign3A_499 : i32
      %sign3A_501 = arith.extui %sign3A_500 : i1 to i32
      %sign3A_502 = arith.subi %sign3A_498, %sign3A_501 : i32
      %ne3A_503 = arith.cmpi ne, %sign3A_495, %sign3A_502 : i32
      %rem3A_504 = arith.remsi %add3A_435, %jit3A_487 : i32
      %ne3A_505 = arith.constant 0 : i32
      %ne3A_506 = arith.cmpi ne, %rem3A_504, %ne3A_505 : i32
      %and3A_507 = arith.andi %ne3A_503, %ne3A_506 : i1
      %sub3A_508 = arith.constant 1 : i32
      %sub3A_509 = arith.subi %div3A_488, %sub3A_508 : i32
      %select_n3A_510 = arith.select %and3A_507, %sub3A_509, %div3A_488 : i32
      %add3A_511 = arith.addi %add3A_486, %select_n3A_510 : i32
      %mul3A_512 = arith.constant 208 : i32
      %mul3A_513 = arith.muli %add3A_511, %mul3A_512 : i32
      %dma_start3A_514 = arith.constant 3 : i32
      %dma_start3A_515 = arith.constant 0 : i32
      %dma_start3A_516 = arith.constant 0 : i32
      %dma_start3A_517 = tpu.memref_slice %arg11[%dma_start3A_514, %dma_start3A_515, %dma_start3A_516] : memref<4x208x64xf32, #tpu.memory_space<vmem>> -> memref<1x208x64xf32, #tpu.memory_space<vmem>>
      %dma_start3A_518 = tpu.memref_squeeze %dma_start3A_517 : memref<1x208x64xf32, #tpu.memory_space<vmem>> -> memref<208x64xf32, #tpu.memory_space<vmem>>
      %dma_start3A_519 = arith.constant 0 : i32
      %dma_start3A_520 = tpu.memref_slice %arg6[%mul3A_513, %dma_start3A_519] : memref<532480x64xf32, #tpu.memory_space<hbm>> -> memref<208x64xf32, #tpu.memory_space<hbm>>
      %dma_start3A_521 = arith.constant 0 : i32
      %dma_start3A_522 = tpu.memref_slice %arg6[%mul3A_513, %dma_start3A_521] : memref<532480x64xf32, #tpu.memory_space<hbm>> -> memref<208x64xf32, #tpu.memory_space<hbm>>
      %dma_start3A_523 = arith.constant 0 : i32
      %dma_start3A_524 = arith.constant 0 : i32
      %dma_start3A_525 = tpu.memref_slice %arg11[%dma_start3A_514, %dma_start3A_523, %dma_start3A_524] : memref<4x208x64xf32, #tpu.memory_space<vmem>> -> memref<1x208x64xf32, #tpu.memory_space<vmem>>
      %dma_start3A_526 = tpu.memref_squeeze %dma_start3A_525 : memref<1x208x64xf32, #tpu.memory_space<vmem>> -> memref<208x64xf32, #tpu.memory_space<vmem>>
      tpu.enqueue_dma source(%dma_start3A_526 : memref<208x64xf32, #tpu.memory_space<vmem>>) target(%dma_start3A_522 : memref<208x64xf32, #tpu.memory_space<hbm>>) target_semaphore(%arg19 : memref<!tpu.dma_semaphore, #tpu.memory_space<semaphore_mem>>)
      %dma_wait3A_527 = arith.constant 3 : i32
      %dma_wait3A_528 = arith.constant 0 : i32
      %dma_wait3A_529 = arith.constant 0 : i32
      %dma_wait3A_530 = tpu.memref_slice %arg11[%dma_wait3A_527, %dma_wait3A_528, %dma_wait3A_529] : memref<4x208x64xf32, #tpu.memory_space<vmem>> -> memref<1x208x64xf32, #tpu.memory_space<vmem>>
      %dma_wait3A_531 = tpu.memref_squeeze %dma_wait3A_530 : memref<1x208x64xf32, #tpu.memory_space<vmem>> -> memref<208x64xf32, #tpu.memory_space<vmem>>
      %dma_wait3A_532 = arith.constant 0 : i32
      %dma_wait3A_533 = arith.constant 0 : i32
      %dma_wait3A_534 = tpu.memref_slice %arg6[%dma_wait3A_532, %dma_wait3A_533] : memref<532480x64xf32, #tpu.memory_space<hbm>> -> memref<208x64xf32, #tpu.memory_space<hbm>>
      %dma_wait3A_535 = arith.constant 0 : i32
      %dma_wait3A_536 = arith.constant 0 : i32
      %dma_wait3A_537 = tpu.memref_slice %arg6[%dma_wait3A_535, %dma_wait3A_536] : memref<532480x64xf32, #tpu.memory_space<hbm>> -> memref<208x64xf32, #tpu.memory_space<hbm>>
      %dma_wait3A_538 = arith.constant 0 : i32
      %dma_wait3A_539 = arith.constant 0 : i32
      %dma_wait3A_540 = tpu.memref_slice %arg11[%dma_wait3A_527, %dma_wait3A_538, %dma_wait3A_539] : memref<4x208x64xf32, #tpu.memory_space<vmem>> -> memref<1x208x64xf32, #tpu.memory_space<vmem>>
      %dma_wait3A_541 = tpu.memref_squeeze %dma_wait3A_540 : memref<1x208x64xf32, #tpu.memory_space<vmem>> -> memref<208x64xf32, #tpu.memory_space<vmem>>
      tpu.wait_dma2 semaphore(%arg19 : memref<!tpu.dma_semaphore, #tpu.memory_space<semaphore_mem>>) src(%dma_wait3A_541 : memref<208x64xf32, #tpu.memory_space<vmem>>) dst(%dma_wait3A_537 : memref<208x64xf32, #tpu.memory_space<hbm>>)
      %add3A_542 = arith.constant 4 : i32
      %add3A_543 = arith.addi %add3A_435, %add3A_542 : i32
      %lt3A_544 = arith.constant 80 : i32
      %lt3A_545 = arith.cmpi slt, %add3A_543, %lt3A_544 : i32
      %convert_element_type3A_546 = arith.extui %lt3A_545 : i1 to i32
      %cond3A_547 = arith.constant 0 : i32
      %cond3A_548 = arith.cmpi ne, %convert_element_type3A_546, %cond3A_547 : i32
      scf.if %cond3A_548 {
        %add3A_549 = arith.constant 4 : i32
        %add3A_550 = arith.addi %add3A_435, %add3A_549 : i32
        %mul3A_551 = arith.constant 208 : i32
        %mul3A_552 = arith.muli %add3A_550, %mul3A_551 : i32
        %add3A_553 = arith.constant 0 : i32
        %add3A_554 = arith.addi %mul3A_552, %add3A_553 : i32
        %dma_start3A_555 = arith.constant 3 : i32
        %dma_start3A_556 = arith.constant 0 : i32
        %dma_start3A_557 = arith.constant 0 : i32
        %dma_start3A_558 = tpu.memref_slice %arg11[%dma_start3A_555, %dma_start3A_556, %dma_start3A_557] : memref<4x208x64xf32, #tpu.memory_space<vmem>> -> memref<1x104x64xf32, #tpu.memory_space<vmem>>
        %dma_start3A_559 = tpu.memref_squeeze %dma_start3A_558 : memref<1x104x64xf32, #tpu.memory_space<vmem>> -> memref<104x64xf32, #tpu.memory_space<vmem>>
        %dma_start3A_560 = tpu.memref_slice %arg10[%add3A_554] : memref<16640xi32, #tpu.memory_space<vmem>> -> memref<104xi32, #tpu.memory_space<vmem>>
        %dma_start3A_561 = arith.constant 0 : i32
        %dma_start3A_562 = arith.constant 0 : i32
        %dma_start3A_563 = tpu.memref_slice %arg3[%dma_start3A_561, %dma_start3A_562] : memref<26000x64xf32, #tpu.memory_space<hbm>> -> memref<26000x64xf32, #tpu.memory_space<hbm>>
        tpu.enqueue_indirect_dma source(%dma_start3A_563 : memref<26000x64xf32, #tpu.memory_space<hbm>>) target(%dma_start3A_559 : memref<104x64xf32, #tpu.memory_space<vmem>>) offsets(%dma_start3A_560 : memref<104xi32, #tpu.memory_space<vmem>>) semaphore(%arg15 : memref<!tpu.dma_semaphore, #tpu.memory_space<semaphore_mem>>)
        %mul3A_564 = arith.constant 208 : i32
        %mul3A_565 = arith.muli %add3A_550, %mul3A_564 : i32
        %add3A_566 = arith.constant 104 : i32
        %add3A_567 = arith.addi %mul3A_565, %add3A_566 : i32
        %dma_start3A_568 = arith.constant 3 : i32
        %dma_start3A_569 = arith.constant 104 : i32
        %dma_start3A_570 = arith.constant 0 : i32
        %dma_start3A_571 = tpu.memref_slice %arg11[%dma_start3A_568, %dma_start3A_569, %dma_start3A_570] : memref<4x208x64xf32, #tpu.memory_space<vmem>> -> memref<1x104x64xf32, #tpu.memory_space<vmem>>
        %dma_start3A_572 = tpu.memref_squeeze %dma_start3A_571 : memref<1x104x64xf32, #tpu.memory_space<vmem>> -> memref<104x64xf32, #tpu.memory_space<vmem>>
        %dma_start3A_573 = tpu.memref_slice %arg10[%add3A_567] : memref<16640xi32, #tpu.memory_space<vmem>> -> memref<104xi32, #tpu.memory_space<vmem>>
        %dma_start3A_574 = arith.constant 0 : i32
        %dma_start3A_575 = arith.constant 0 : i32
        %dma_start3A_576 = tpu.memref_slice %arg3[%dma_start3A_574, %dma_start3A_575] : memref<26000x64xf32, #tpu.memory_space<hbm>> -> memref<26000x64xf32, #tpu.memory_space<hbm>>
        tpu.enqueue_indirect_dma source(%dma_start3A_576 : memref<26000x64xf32, #tpu.memory_space<hbm>>) target(%dma_start3A_572 : memref<104x64xf32, #tpu.memory_space<vmem>>) offsets(%dma_start3A_573 : memref<104xi32, #tpu.memory_space<vmem>>) semaphore(%arg15 : memref<!tpu.dma_semaphore, #tpu.memory_space<semaphore_mem>>)
      } else {
      }
    }
    %scan3A_92 = arith.constant 20 : i32
    return
  }
}

</mosaic_0001>

<sc_bundles>
// kernel: kernel.3.cloned.1.call-start
scs
__scs_entry_jumppad:
0x0: {  	(pc) =	sbr.rel $0x88, $3  }
0x1: {  	(tag) =	ssettag $0x0;
	lr =	simm.s32 $0x1  }
0x2: {  	[smem:$0x3F9F] =	sst lr;
	_ =	strace $0xD0000000  }
0x3: {  	_ = 	snop  }
0x4: {  	_ = 	snop  }
0x5: {  	_ = 	snop  }
0x6: {  	_ = 	snop  }
0x7: {  	_ = 	snop  }
__scs_overlays_trampoline_lowered:
0x8: {  	[smem:$0x3FAE] =	sst s0  }
0x9: {  	[smem:$0x3FAF] =	sst s1  }
0xa: {  	[smem:$0x3FB0] =	sst s2  }
0xb: {  	[smem:$0x3FB1] =	sst s3  }
0xc: {  	[smem:$0x3FB2] =	sst s4  }
0xd: {  	[smem:$0x3FB3] =	sst s5  }
0xe: {  	[smem:$0x3FB4] =	sst s6  }
0xf: {  	[smem:$0x3FB5] =	sst s7  }
0x10: {  	[smem:$0x3FB6] =	sst s8  }
0x11: {  	[smem:$0x3FB7] =	sst s9;
	s0 =	simm.s32 @!p0 $0x0  }
0x12: {  	s1 =	sld [smem:$0x3F9D];
	s0 =	simm.s32 @p0 $0x1  }
0x13: {  	[smem:$0x3FB8] =	sst s0;
	s0 =	simm.s32 @!p1 $0x0  }
0x14: {  	s2 =	sld [smem:$0x3F9C];
	s0 =	simm.s32 @p1 $0x1  }
0x15: {  	[smem:$0x3FB9] =	sst s0;
	s0 =	simm.s32 @!p2 $0x0  }
0x16: {  	s3 =	sld [smem:$0x3FDB];
	s0 =	simm.s32 @p2 $0x1  }
0x17: {  	s4 =	simm.s32 $0x1BF5;
	[smem:$0x3FBB] =	sst s0  }
0x18: {  	s0 =	sld [smem:$0x3F9E];
	_ =	swait.ge [sflag:s4], $0x0  }
0x19: {  	s7 =	sld [smem:$0x3F9F]  }
0x1a: {  	s8 =	sadd.s32 $0xFFFFE003, lr  }
0x1b: {  	s9 =	sadd.s32 $0xFFFFFEF7, lr;
	s5 =	simm.s32 $0xFFFFFFFF;
	p2 =	slt.u32 s8, $0xFFFFF086  }
0x1c: {  	p1 =	slt.u32 s9, $0xF7A;
	s5 =	simm.s32 @!p2 $0x0  }
0x1d: {  	s5 =	simm.s32 @p1 $0x1;
	p0 =	seq.s32 s7, s2  }
0x1e: {  	s7 =	smul.u32 @!p0 $0xF7A, s2;
	p2 =	seq.s32 @!p0 s5, $0x0  }
0x1f: {  	s9 =	smul.u32 $0xF7A, s1;
	s8 =	simm.s32 @!p0 $0x1BF5;
	p2 =	por !p2, p0  }
0x20: {  	[sflag:s8] =	ssyncset.s32 @!p0 $0xFFFFF086;
	s6 =	sadd.s32 @!p0 s3, s7;
	s7 =	simm.s32 @!p0 $0x108  }
0x21: {  	s3 =	sadd.s32 s3, s9;
	s6 =	sadd.s32 @!p0 $0x88, s6;
	s7 =	simm.s32 @p2 $0x1082  }
0x22: {  	[simem:s7], [sflag:s8] =	dma.local @!p0 [hbm:s6], $0xF7A  }
0x23: {  	s9 =	sor.u32 $0xD0000000, s2;
	s6 =	simm.s32 $0x108;
	_ =	swait.ge @!p0 [sflag:s8], $0x0  }
0x24: {  	s3 =	sadd.s32 $0x88, s3;
	s6 =	simm.s32 @!p1 $0x1082;
	[sflag:s4] =	ssyncset.s32 $0xFFFFF086  }
0x25: {  	[simem:s6], [sflag:s4] =	dma.local [hbm:s3], $0xF7A  }
0x26: {  	[smem:$0x3F9F] =	sst s1;
	(tag) =	ssettag s2;
	_ =	strace s9  }
0x27: {  	s1 =	sld [smem:$0x3FAF]  }
0x28: {  	s2 =	sld [smem:$0x3FB0]  }
0x29: {  	s4 =	sld [smem:$0x3FB2]  }
0x2a: {  	p0 =	seq.s32 s5, $0x0;
	s5 =	sld [smem:$0x3FB3]  }
0x2b: {  	s6 =	sld [smem:$0x3FB4]  }
0x2c: {  	s7 =	sld [smem:$0x3FB5]  }
0x2d: {  	s3 =	simm.s32 $0x108;
	s8 =	sld [smem:$0x3FB6]  }
0x2e: {  	s3 =	simm.s32 @!p0 $0x1082;
	s9 =	sld [smem:$0x3FB7]  }
0x2f: {  	lr =	sadd.s32 s0, s3;
	s0 =	sld [smem:$0x3FAE]  }
0x30: {  	s3 =	sld [smem:$0x3FB1]  }
0x31: {  	[smem:$0x3FBA] =	sst s10  }
0x32: {  	s10 =	sld [smem:$0x3FB8];
	_ =	sdelay $0x3  }
0x33: {  	p0 =	seq.s32 s10, $0x1;
	s10 =	sld [smem:$0x3FBA];
	_ =	sdelay $0x3  }
0x34: {  	[smem:$0x3FBA] =	sst s10  }
0x35: {  	s10 =	sld [smem:$0x3FB9];
	_ =	sdelay $0x3  }
0x36: {  	p1 =	seq.s32 s10, $0x1;
	s10 =	sld [smem:$0x3FBA];
	_ =	sdelay $0x3  }
0x37: {  	[smem:$0x3FBA] =	sst s10  }
0x38: {  	s10 =	sld [smem:$0x3FBB]  }
0x39: {  	_ = 	snop;
	(pc) =	sbr.ind lr, $3  }
0x3a: {  	_ = 	snop  }
0x3b: {  	_ = 	snop  }
0x3c: {  	p2 =	seq.s32 s10, $0x1;
	s10 =	sld [smem:$0x3FBA]  }
0x3d: {  	_ =	shalt  }
0x3e: {  	_ =	shalt  }
0x3f: {  	_ =	shalt  }
0x40: {  	_ =	shalt  }
0x41: {  	_ =	shalt  }
0x42: {  	_ =	shalt  }
0x43: {  	_ =	shalt  }
0x44: {  	_ =	shalt  }
0x45: {  	_ =	shalt  }
0x46: {  	_ =	shalt  }
0x47: {  	_ =	shalt  }
0x48: {  	_ =	shalt  }
0x49: {  	_ =	shalt  }
0x4a: {  	_ =	shalt  }
0x4b: {  	_ =	shalt  }
0x4c: {  	_ =	shalt  }
0x4d: {  	_ =	shalt  }
0x4e: {  	_ =	shalt  }
0x4f: {  	_ =	shalt  }
0x50: {  	_ =	shalt  }
0x51: {  	_ =	shalt  }
0x52: {  	_ =	shalt  }
0x53: {  	_ =	shalt  }
0x54: {  	_ =	shalt  }
0x55: {  	_ =	shalt  }
0x56: {  	_ =	shalt  }
0x57: {  	_ =	shalt  }
0x58: {  	_ =	shalt  }
0x59: {  	_ =	shalt  }
0x5a: {  	_ =	shalt  }
0x5b: {  	_ =	shalt  }
0x5c: {  	_ =	shalt  }
0x5d: {  	_ =	shalt  }
0x5e: {  	_ =	shalt  }
0x5f: {  	_ =	shalt  }
0x60: {  	_ =	shalt  }
0x61: {  	_ =	shalt  }
0x62: {  	_ =	shalt  }
0x63: {  	_ =	shalt  }
0x64: {  	_ =	shalt  }
0x65: {  	_ =	shalt  }
0x66: {  	_ =	shalt  }
0x67: {  	_ =	shalt  }
0x68: {  	_ =	shalt  }
0x69: {  	_ =	shalt  }
0x6a: {  	_ =	shalt  }
0x6b: {  	_ =	shalt  }
0x6c: {  	_ =	shalt  }
0x6d: {  	_ =	shalt  }
0x6e: {  	_ =	shalt  }
0x6f: {  	_ =	shalt  }
0x70: {  	_ =	shalt  }
0x71: {  	_ =	shalt  }
0x72: {  	_ =	shalt  }
0x73: {  	_ =	shalt  }
0x74: {  	_ =	shalt  }
0x75: {  	_ =	shalt  }
0x76: {  	_ =	shalt  }
0x77: {  	_ =	shalt  }
0x78: {  	_ =	shalt  }
0x79: {  	_ =	shalt  }
0x7a: {  	_ =	shalt  }
0x7b: {  	_ =	shalt  }
0x7c: {  	_ =	shalt  }
0x7d: {  	_ =	shalt  }
0x7e: {  	_ =	shalt  }
0x7f: {  	_ =	shalt  }
0x80: {  	_ =	shalt  }
0x81: {  	_ =	shalt  }
0x82: {  	_ =	shalt  }
0x83: {  	_ =	shalt  }
0x84: {  	_ =	shalt  }
0x85: {  	_ =	shalt  }
0x86: {  	_ =	shalt  }
0x87: {  	_ =	shalt  }
.Lfunc_end0:
.L_simem_size_0:
called_computation_lowered:
.L_overlay_start_0:
0x88: {  	s2 =	sld [smem:$0x3FD9]  }
0x89: {  	s3 =	sld [smem:$0x3FFE];
	_ =	sdelay $0x1  }
0x8a: {  	s1 =	srdreg.scid  }
0x8b: {  	s0 =	sand.u32 $0x1, s1  }
0x8c: {  	s17 =	sshll.u32 s0, $0xA;
	s2 =	sadd.s32 s3, s2  }
0x8d: {  	s2 =	sadd.s32 s2, s17  }
0x8e: {  	[smem:$0x3FC6] =	sst s2  }
0x8f: {  	_ = 	snop  }
0x90: {  	s2 =	sld [smem:$0x3FD0];
	(tm) =	ssettm $0x1  }
0x91: {  	s18 =	sld [smem:$0x3FFB];
	_ =	sdelay $0x3  }
0x92: {  	_ =	strace s18  }
0x93: {  	s3 =	sld [smem:$0x3FFC];
	_ =	sdelay $0x3  }
0x94: {  	_ =	strace s3  }
0x95: {  	s3 =	sld [smem:$0x3FFD];
	_ =	sdelay $0x3  }
0x96: {  	_ =	strace s3  }
0x97: {  	_ =	strace $0x8FFFFFFF  }
0x98: {  	s19 =	sld [smem:$0x3FDB];
	_ =	sdelay $0x1  }
0x99: {  	s4 =	simm.s32 $_scs_section_size  }
0x9a: {  	s5 =	simm.s32 $_size__tile_overlayer_lowered;
	s6 =	simm.s32 $_tile_overlayer_lowered  }
0x9b: {  	s22 =	simm.s32 $0x1BFF;
	s21 =	sshll.u32 s6, $0x1;
	s3 =	sadd.s32 s4, s19  }
0x9c: {  	s7 =	simm.s32 $0x0;
	s20 =	sshll.u32 s5, $0x1;
	s5 =	sadd.s32 s21, s3  }
0x9d: {  	[timem:s7], [sflag:s22] =	dma.local [hbm:s5], s20  }
0x9e: {  	_ =	swait.ge [sflag:s22], s20  }
0x9f: {  	s4 =	ssub.s32 $0x0, s20;
	[sflag:s22] =	ssyncset.done $0x0  }
0xa0: {  	[sflag:s22] =	ssyncadd.s32 s4;
	_ =	sdelay $0x1  }
0xa1: {  	s23 =	simm.s32 $0x1B8B  }
0xa2: {  	_ =	swait.ge [sflag:s23], $0x1  }
0xa3: {  	[sflag:s23] =	ssyncset.done $0x0  }
0xa4: {  	s25 =	simm.s32 $0x1B8E;
	s24 =	sld [smem:$0x3FFE];
	[sflag:s23] =	ssyncadd.s32 $0xFFFFFFFF  }
0xa5: {  	s26 =	simm.s32 $execute0_lowered;
	[smem:$0x3FD2] =	sst s25  }
0xa6: {  	s5 =	sshll.u32 s26, $0x1;
	_ =	strace $0x80000046;
	[dreg:$0x1] =	wrdreg $0xFFFFFFFF  }
0xa7: {  	s28 =	simm.s32 $_size_execute0_lowered;
	s3 =	sadd.s32 s3, s5;
	[dreg:$0x0] =	wrdreg $0x0  }
0xa8: {  	s5 =	sshll.u32 s28, $0x1;
	[dreg:$0x2] =	wrdreg s3  }
0xa9: {  	[dreg:$0x3] =	wrdreg s5  }
0xaa: {  	[dreg:$0x4] =	wrdreg $0xC0  }
0xab: {  	_ =	task [dreg:s7], $0x5FFFF  }
0xac: {  	[dreg:$0x1] =	wrdreg $0xFFFFFFFF  }
0xad: {  	[dreg:$0x0] =	wrdreg $0x60  }
0xae: {  	[dreg:$0x2] =	wrdreg s24  }
0xaf: {  	[dreg:$0x3] =	wrdreg s2  }
0xb0: {  	[dreg:$0x4] =	wrdreg $0x9  }
0xb1: {  	_ =	task.clear_ibuf [dreg:s7], $0x5FFFF;
	_ =	strace $0x90000046  }
0xb2: {  	s29 =	simm.s32 $0x9;
	_ =	strace $0x80000048  }
0xb3: {  	_ =	swait.ge [sflag:s29], $0x1  }
0xb4: {  	[sflag:s29] =	ssyncadd.s32 $0xFFFFFFFF  }
0xb5: {  	_ =	strace $0x90000048  }
0xb6: {  	_ =	sfence  }
0xb7: {  	s30 =	sld [smem:$0x0];
	_ =	sdelay $0x2  }
0xb8: {  	s31 =	sshll.u32 s1, $0xD;
	s1 =	sshrl.u32 s1, $0x2  }
0xb9: {  	s3 =	sand.u32 $0x4000, s31;
	s1 =	sadd.s32 s1, s30  }
0xba: {  	s0 =	sor.u32 s3, s0;
	s1 =	sshll.u32 s1, $0x11  }
0xbb: {  	s0 =	sor.u32 s1, s0  }
0xbc: {  	s0 =	sadd.s32 $0x8F2B, s0  }
0xbd: {  	[sflag:s0] =	ssyncadd.remote.s32 $0x1  }
0xbe: {  	_ =	sfence.sel $0xFFFF  }
0xbf: {  	[dreg:$0x0] =	wrdreg $0xFFFFFFFF;
	(pc) =	sbr.abs _section_cstart, $3  }
0xc0: {  	[dreg:$0x1] =	wrdreg $0xFFFFFFFF  }
0xc1: {  	_ =	task.clear_ibuf [dreg:s7], $0x2FFFF;
	_ =	strace $0x9FFFFFFF  }
0xc2: {  	(tm) =	ssettm $0x7FFFFFFF  }
0xc3: {  	_ =	shalt  }
tec
execute0_lowered:
.L_overlay_start_1:
0x0: {  	(tag) =	ssettag $0x1  }
0x1: {  	s0 =	rddreg [dreg:$0x0];
	s1 =	srdreg.scid  }
0x2: {  	s3 =	stileid.u32;
	s2 =	rddreg [dreg:$0x1];
	s10 =	simm.s32 $0x9  }
0x3: {  	s13 =	simm.s32 $0x68;
	s15 =	simm.s32 $0x83A0;
	s19 =	simm.s32 $0xB7A0  }
0x4: {  	s23 =	simm.s32 $0xEBA0;
	s28 =	simm.s32 $0x11FA0;
	s30 =	simm.s32 $0x139A0  }
0x5: {  	s31 =	simm.s32 $0x1;
	s11 =	simm.s32 $0x6;
	s12 =	simm.s32 $0x3  }
0x6: {  	s14 =	simm.s32 $0x7;
	s16 =	simm.s32 $0x4;
	s17 =	simm.s32 $0x8  }
0x7: {  	s18 =	simm.s32 $0x0;
	s1 =	sand.u32 $0x1, s1;
	s4 =	sshll.u32 s3, $0x1  }
0x8: {  	s3 =	simm.s32 $0x0;
	s5 =	sadd.s32 $0x800, s0;
	s8 =	sor.u32 s1, s4  }
0x9: {  	[smem:$0x7FF] =	sst s3;
	s1 =	ssub.s32 $0x2, s1;
	s4 =	smul.u32 $0x820, s8  }
.Ltmp0:
0xa: {  	_ =	strace $0x80000047;
	[dreg:$0x3] =	wrdreg s5;
	(pc) =	sbr.rel .LBB2_1-.Ltmp0, $4  }
0xb: {  	s7 =	sadd.s32 s4, s0;
	s4 =	sadd.s32 $0x10E00, s0;
	s0 =	sadd.s32 $0x600, s0  }
0xc: {  	s26 =	sshrl.u32 s1, $0x1;
	s8 =	sshll.u32 s8, $0x2;
	[dreg:$0x4] =	wrdreg s0  }
0xd: {  	s0 =	ssub.s32 s1, s26;
	s29 =	sadd.s32 $0xA00, s7;
	s1 =	simm.s32 $0x5  }
0xe: {  	[dreg:$0x5] =	wrdreg s29;
	s9 =	smax.u32 s0, $0x1;
	s0 =	simm.s32 $0x2  }
.LBB2_6:
0xf: {  	s18 =	sadd.s32 $0x1, s18  }
0x10: {  	p0 =	sne.s32 s18, s9  }
.Ltmp1:
0x11: {  	_ = 	snop;
	(pc) =	sbr.rel @!p0 .LBB2_7-.Ltmp1, $1  }
0x12: {  	_ =	sdelay $0x3  }
.LBB2_1:
0x13: {  	s5 =	rddreg [dreg:$0x5]  }
0x14: {  	[tilespmem:s3], [sflag:$0x9] =	stream.linear.gather [hbm4b:s5+s3], $0x4100, $0x38;
	[tilespmem:$0x153A0] =	vst v63  }
0x15: {  	_ =	swait.ge [sflag:s10], $0x4100  }
0x16: {  	[sflag:s10] =	ssyncset.done $0x0  }
0x17: {  	s6 =	simm.s32 $0x4100;
	s25 =	rddreg [dreg:$0x3];
	[sflag:s10] =	ssyncadd.s32 $0xFFFFBF00  }
0x18: {  	[tilespmem:s6], [sflag:$0x9] =	stream.linear.gather [hbm4b:s25+s3], $0xD0, $0x38;
	[tilespmem:$0x153A0] =	vst v63  }
0x19: {  	_ =	swait.ge [sflag:s10], $0xD0  }
0x1a: {  	[sflag:s10] =	ssyncset.done $0x0  }
0x1b: {  	s29 =	simm.s32 $0x41D0;
	s26 =	rddreg [dreg:$0x4];
	[sflag:s10] =	ssyncadd.s32 $0xFFFFFF30  }
0x1c: {  	[tilespmem:s29], [sflag:$0x9] =	stream.linear.gather [hbm4b:s26+s3], $0xD0, $0x38;
	[tilespmem:$0x153A0] =	vst v63  }
0x1d: {  	_ =	swait.ge [sflag:s10], $0xD0  }
0x1e: {  	[sflag:s10] =	ssyncset.done $0x0  }
0x1f: {  	s20 =	simm.s32 $0x4300;
	s21 =	simm.s32 $0x0;
	[sflag:s10] =	ssyncadd.s32 $0xFFFFFF30  }
.LBB2_2:
0x20: {  	s22 =	smul.u32 $0xCD, s21;
	_ =	sdelay $0x1  }
0x21: {  	s22 =	sshrl.u32 s22, $0xC  }
0x22: {  	s22 =	sand.u32 $0xF, s22  }
0x23: {  	s24 =	smul.u32 $0x14, s22;
	_ =	sdelay $0x1  }
0x24: {  	v0 =	vld [tilespmem:$0x4100];
	s24 =	ssub.s32 s21, s24  }
0x25: {  	s22 =	smul.u32 $0x1040, s22;
	s24 =	sand.u32 $0xFF, s24  }
0x26: {  	s24 =	smul.u32 $0x1A, s24;
	_ =	sdelay $0x1  }
0x27: {  	s22 =	sadd.s32 s24, s22  }
0x28: {  	v0 =	vadd.s32 s22, v0;
	_ =	sdelay $0x3  }
0x29: {  	v1 =	vld [tilespmem:$0x41D0]  }
0x2a: {  	v0 =	vld.idx.msk [tilespmem:v0+s3+$0x0], $0xffff;
	_ =	sdelay $0x4  }
0x2b: {  	v0 =	vadd.s32 v0, v1  }
0x2c: {  	[tilespmem:s20+$0xFFFFFFA0] =	vst v0  }
0x2d: {  	v0 =	vld [tilespmem:$0x4110];
	_ =	sdelay $0x4  }
0x2e: {  	v0 =	vadd.s32 s22, v0;
	_ =	sdelay $0x3  }
0x2f: {  	v52 =	vld [tilespmem:$0x41E0]  }
0x30: {  	v0 =	vld.idx.msk [tilespmem:v0+s3+$0x0], $0xffff;
	_ =	sdelay $0x4  }
0x31: {  	v0 =	vadd.s32 v0, v52  }
0x32: {  	[tilespmem:s20+$0xFFFFFFB0] =	vst v0  }
0x33: {  	v0 =	vld [tilespmem:$0x4120];
	_ =	sdelay $0x4  }
0x34: {  	v0 =	vadd.s32 s22, v0;
	_ =	sdelay $0x3  }
0x35: {  	v53 =	vld [tilespmem:$0x41F0]  }
0x36: {  	v0 =	vld.idx.msk [tilespmem:v0+s3+$0x0], $0xffff;
	_ =	sdelay $0x4  }
0x37: {  	v0 =	vadd.s32 v0, v53  }
0x38: {  	[tilespmem:s20+$0xFFFFFFC0] =	vst v0  }
0x39: {  	v0 =	vld [tilespmem:$0x4130];
	_ =	sdelay $0x4  }
0x3a: {  	v0 =	vadd.s32 s22, v0;
	_ =	sdelay $0x3  }
0x3b: {  	v54 =	vld [tilespmem:$0x4200]  }
0x3c: {  	v0 =	vld.idx.msk [tilespmem:v0+s3+$0x0], $0xffff;
	_ =	sdelay $0x4  }
0x3d: {  	v0 =	vadd.s32 v0, v54  }
0x3e: {  	[tilespmem:s20+$0xFFFFFFD0] =	vst v0  }
0x3f: {  	v0 =	vld [tilespmem:$0x4140];
	_ =	sdelay $0x4  }
0x40: {  	v0 =	vadd.s32 s22, v0;
	_ =	sdelay $0x3  }
0x41: {  	v55 =	vld [tilespmem:$0x4210]  }
0x42: {  	v0 =	vld.idx.msk [tilespmem:v0+s3+$0x0], $0xffff;
	_ =	sdelay $0x4  }
0x43: {  	v0 =	vadd.s32 v0, v55  }
0x44: {  	[tilespmem:s20+$0xFFFFFFE0] =	vst v0  }
0x45: {  	v0 =	vld [tilespmem:$0x4150];
	_ =	sdelay $0x4  }
0x46: {  	v0 =	vadd.s32 s22, v0;
	_ =	sdelay $0x3  }
0x47: {  	v56 =	vld [tilespmem:$0x4220]  }
0x48: {  	v0 =	vld.idx.msk [tilespmem:v0+s3+$0x0], $0xffff;
	_ =	sdelay $0x4  }
0x49: {  	v0 =	vadd.s32 v0, v56  }
0x4a: {  	[tilespmem:s20+$0xFFFFFFF0] =	vst v0  }
0x4b: {  	v0 =	vld [tilespmem:$0x4160];
	_ =	sdelay $0x4  }
0x4c: {  	v0 =	vadd.s32 s22, v0;
	_ =	sdelay $0x3  }
0x4d: {  	v57 =	vld [tilespmem:$0x4230]  }
0x4e: {  	v0 =	vld.idx.msk [tilespmem:v0+s3+$0x0], $0xffff;
	_ =	sdelay $0x4  }
0x4f: {  	v0 =	vadd.s32 v0, v57  }
0x50: {  	[tilespmem:s20+$0x0] =	vst v0  }
0x51: {  	v0 =	vld [tilespmem:$0x4170];
	_ =	sdelay $0x4  }
0x52: {  	v0 =	vadd.s32 s22, v0;
	_ =	sdelay $0x3  }
0x53: {  	v58 =	vld [tilespmem:$0x4240]  }
0x54: {  	v0 =	vld.idx.msk [tilespmem:v0+s3+$0x0], $0xffff;
	_ =	sdelay $0x4  }
0x55: {  	v0 =	vadd.s32 v0, v58  }
0x56: {  	[tilespmem:s20+$0x10] =	vst v0  }
0x57: {  	v0 =	vld [tilespmem:$0x4180];
	_ =	sdelay $0x4  }
0x58: {  	v0 =	vadd.s32 s22, v0;
	_ =	sdelay $0x3  }
0x59: {  	v59 =	vld [tilespmem:$0x4250]  }
0x5a: {  	v0 =	vld.idx.msk [tilespmem:v0+s3+$0x0], $0xffff;
	_ =	sdelay $0x4  }
0x5b: {  	v0 =	vadd.s32 v0, v59  }
0x5c: {  	[tilespmem:s20+$0x20] =	vst v0  }
0x5d: {  	v0 =	vld [tilespmem:$0x4190];
	_ =	sdelay $0x4  }
0x5e: {  	v0 =	vadd.s32 s22, v0;
	_ =	sdelay $0x3  }
0x5f: {  	v60 =	vld [tilespmem:$0x4260]  }
0x60: {  	v0 =	vld.idx.msk [tilespmem:v0+s3+$0x0], $0xffff;
	_ =	sdelay $0x4  }
0x61: {  	v0 =	vadd.s32 v0, v60  }
0x62: {  	[tilespmem:s20+$0x30] =	vst v0  }
0x63: {  	v0 =	vld [tilespmem:$0x41A0];
	_ =	sdelay $0x4  }
0x64: {  	v0 =	vadd.s32 s22, v0;
	_ =	sdelay $0x3  }
0x65: {  	v61 =	vld [tilespmem:$0x4270]  }
0x66: {  	v0 =	vld.idx.msk [tilespmem:v0+s3+$0x0], $0xffff;
	_ =	sdelay $0x4  }
0x67: {  	v0 =	vadd.s32 v0, v61  }
0x68: {  	[tilespmem:s20+$0x40] =	vst v0  }
0x69: {  	v0 =	vld [tilespmem:$0x41B0];
	_ =	sdelay $0x4  }
0x6a: {  	v0 =	vadd.s32 s22, v0;
	_ =	sdelay $0x3  }
0x6b: {  	v62 =	vld [tilespmem:$0x4280]  }
0x6c: {  	v0 =	vld.idx.msk [tilespmem:v0+s3+$0x0], $0xffff;
	_ =	sdelay $0x4  }
0x6d: {  	v0 =	vadd.s32 v0, v62  }
0x6e: {  	[tilespmem:s20+$0x50] =	vst v0  }
0x6f: {  	v0 =	vld [tilespmem:$0x41C0];
	_ =	sdelay $0x4  }
0x70: {  	v0 =	vadd.s32 s22, v0;
	_ =	sdelay $0x3  }
0x71: {  	v63 =	vld [tilespmem:$0x4290]  }
0x72: {  	v0 =	vld.idx.msk [tilespmem:v0+s3+$0x0], $0xffff  }
0x73: {  	p0 =	sne.s32 s21, $0x4F  }
.Ltmp2:
0x74: {  	_ = 	snop;
	(pc) =	sbr.rel @p0 .LBB2_2-.Ltmp2, $3  }
0x75: {  	_ =	sdelay $0x1  }
0x76: {  	v0 =	vadd.s32 v0, v63  }
0x77: {  	s21 =	sadd.s32 $0x1, s21;
	[tilespmem:s20+$0x60] =	vst v0;
	s20 =	sadd.s32 $0xD0, s20  }
0x78: {  	s5 =	simm.s32 $0x42A0  }
0x79: {  	[tilespmem:s15], [sflag:$0x1] =	stream.indirect.gather [hbm4b:s4+s13], $0x40, s5, s13, $0xb8;
	[tilespmem:$0x153A0] =	vst v63  }
0x7a: {  	s29 =	simm.s32 $0x4308;
	s6 =	simm.s32 $0x9DA0  }
0x7b: {  	[tilespmem:s6], [sflag:$0x1] =	stream.indirect.gather [hbm4b:s4+s13], $0x40, s29, s13, $0xb8;
	[tilespmem:$0x153A0] =	vst v63  }
0x7c: {  	s7 =	simm.s32 $0x4370  }
0x7d: {  	[tilespmem:s19], [sflag:$0x2] =	stream.indirect.gather [hbm4b:s4+s13], $0x40, s7, s13, $0xb8;
	[tilespmem:$0x153A0] =	vst v63  }
0x7e: {  	s20 =	simm.s32 $0x43D8;
	s21 =	simm.s32 $0xD1A0  }
0x7f: {  	[tilespmem:s21], [sflag:$0x2] =	stream.indirect.gather [hbm4b:s4+s13], $0x40, s20, s13, $0xb8;
	[tilespmem:$0x153A0] =	vst v63  }
0x80: {  	s22 =	simm.s32 $0x4440  }
0x81: {  	[tilespmem:s23], [sflag:$0x3] =	stream.indirect.gather [hbm4b:s4+s13], $0x40, s22, s13, $0xb8;
	[tilespmem:$0x153A0] =	vst v63  }
0x82: {  	s24 =	simm.s32 $0x44A8;
	s25 =	simm.s32 $0x105A0  }
0x83: {  	[tilespmem:s25], [sflag:$0x3] =	stream.indirect.gather [hbm4b:s4+s13], $0x40, s24, s13, $0xb8;
	[tilespmem:$0x153A0] =	vst v63  }
0x84: {  	s26 =	simm.s32 $0x4510  }
0x85: {  	[tilespmem:s28], [sflag:$0x4] =	stream.indirect.gather [hbm4b:s4+s13], $0x40, s26, s13, $0xb8;
	[tilespmem:$0x153A0] =	vst v63  }
0x86: {  	s29 =	simm.s32 $0x4578;
	s20 =	simm.s32 $0x0;
	s21 =	simm.s32 $0x0  }
0x87: {  	[tilespmem:s30], [sflag:$0x4] =	stream.indirect.gather [hbm4b:s4+s13], $0x40, s29, s13, $0xb8;
	[tilespmem:$0x153A0] =	vst v63  }
.LBB2_4:
0x88: {  	s24 =	sshll.u32 s21, $0x2  }
0x89: {  	s22 =	sand.u32 $0xFC, s24  }
0x8a: {  	s22 =	smul.u32 $0xCD, s22;
	_ =	sdelay $0x1  }
0x8b: {  	s22 =	sshrl.u32 s22, $0xC  }
0x8c: {  	s25 =	sand.u32 $0xFF, s21;
	s22 =	smul.u32 $0x14, s22  }
0x8d: {  	s25 =	smul.u32 $0xCD, s25  }
0x8e: {  	s22 =	ssub.s32 s24, s22  }
0x8f: {  	_ =	swait.ge [sflag:s31], $0x1A00;
	s25 =	sshrl.u32 s25, $0xA;
	s22 =	sand.u32 $0xFC, s22  }
0x90: {  	[sflag:s31] =	ssyncset.done $0x0;
	s26 =	sshll.u32 s22, $0x7;
	s22 =	sadd.s32 s25, s8  }
0x91: {  	[sflag:s31] =	ssyncadd.s32 $0xFFFFE600;
	s25 =	sor.u32 s26, s22  }
0x92: {  	_ =	swait.ge [sflag:s31], $0x1A00;
	s26 =	sor.u32 $0x1, s24;
	s25 =	smul.u32 $0x680, s25  }
0x93: {  	p0 =	seq.s32 s20, $0xF700;
	[sflag:s31] =	ssyncset.done $0x0;
	s5 =	sand.u32 $0xFF, s26  }
0x94: {  	[sflag:s31] =	ssyncadd.s32 $0xFFFFE600;
	s5 =	smul.u32 $0xCD, s5;
	s25 =	sadd.s32 s2, s25  }
0x95: {  	[hbm4b:s25+s3] =	stream.linear.scatter [tilespmem:s15], [sflag:$0x5], $0x3400, $0x38;
	[tilespmem:$0x153A0] =	vst v63  }
0x96: {  	s6 =	simm.s32 @!p0 $0x68;
	s7 =	simm.s32 @!p0 $0x83A0;
	_ =	swait.ge [sflag:s1], $0x3400  }
0x97: {  	s25 =	sshra.s32 @!p0 s20, $0x2;
	s5 =	sshrl.u32 s5, $0xC;
	[sflag:s1] =	ssyncset.done $0x0  }
0x98: {  	s29 =	sadd.s32 @!p0 $0x45E0, s25;
	s5 =	smul.u32 $0x14, s5;
	[sflag:s1] =	ssyncadd.s32 $0xFFFFCC00  }
0x99: {  	[tilespmem:s7], [sflag:$0x1] =	stream.indirect.gather @!p0 [hbm4b:s4+s6], $0x40, s29, s6, $0xb8;
	[tilespmem:$0x153A0] =	vst v63  }
0x9a: {  	s5 =	ssub.s32 s26, s5;
	s7 =	sadd.s32 @!p0 $0x4648, s25;
	s29 =	simm.s32 @!p0 $0x9DA0  }
0x9b: {  	[tilespmem:s29], [sflag:$0x1] =	stream.indirect.gather @!p0 [hbm4b:s4+s6], $0x40, s7, s6, $0xb8;
	[tilespmem:$0x153A0] =	vst v63  }
0x9c: {  	s5 =	sand.u32 $0xFF, s5;
	_ =	swait.ge [sflag:s0], $0x1A00  }
0x9d: {  	s5 =	sshll.u32 s5, $0x7;
	[sflag:s0] =	ssyncset.done $0x0  }
0x9e: {  	s5 =	sadd.s32 s5, s22;
	[sflag:s0] =	ssyncadd.s32 $0xFFFFE600  }
0x9f: {  	s5 =	smul.u32 $0x680, s5;
	_ =	swait.ge [sflag:s0], $0x1A00  }
0xa0: {  	[sflag:s0] =	ssyncset.done $0x0  }
0xa1: {  	s5 =	sadd.s32 s2, s5;
	[sflag:s0] =	ssyncadd.s32 $0xFFFFE600  }
0xa2: {  	[hbm4b:s5+s3] =	stream.linear.scatter [tilespmem:s19], [sflag:$0x6], $0x3400, $0x38;
	[tilespmem:$0x153A0] =	vst v63  }
0xa3: {  	s5 =	sor.u32 $0x2, s24;
	_ =	swait.ge [sflag:s11], $0x3400  }
0xa4: {  	s26 =	sadd.s32 @!p0 $0x46B0, s25;
	s7 =	sand.u32 $0xFF, s5;
	[sflag:s11] =	ssyncset.done $0x0  }
0xa5: {  	s29 =	simm.s32 @!p0 $0xB7A0;
	s7 =	smul.u32 $0xCD, s7;
	[sflag:s11] =	ssyncadd.s32 $0xFFFFCC00  }
0xa6: {  	[tilespmem:s29], [sflag:$0x2] =	stream.indirect.gather @!p0 [hbm4b:s4+s6], $0x40, s26, s6, $0xb8;
	[tilespmem:$0x153A0] =	vst v63  }
0xa7: {  	s7 =	sshrl.u32 s7, $0xC  }
0xa8: {  	s26 =	sadd.s32 @!p0 $0x4718, s25;
	s29 =	simm.s32 @!p0 $0xD1A0;
	s7 =	smul.u32 $0x14, s7  }
0xa9: {  	[tilespmem:s29], [sflag:$0x2] =	stream.indirect.gather @!p0 [hbm4b:s4+s6], $0x40, s26, s6, $0xb8;
	[tilespmem:$0x153A0] =	vst v63  }
0xaa: {  	s5 =	ssub.s32 s5, s7  }
0xab: {  	_ =	swait.ge [sflag:s12], $0x1A00;
	s5 =	sand.u32 $0xFF, s5  }
0xac: {  	[sflag:s12] =	ssyncset.done $0x0;
	s5 =	sshll.u32 s5, $0x7  }
0xad: {  	[sflag:s12] =	ssyncadd.s32 $0xFFFFE600;
	s5 =	sor.u32 s5, s22  }
0xae: {  	_ =	swait.ge [sflag:s12], $0x1A00;
	s5 =	smul.u32 $0x680, s5  }
0xaf: {  	[sflag:s12] =	ssyncset.done $0x0  }
0xb0: {  	[sflag:s12] =	ssyncadd.s32 $0xFFFFE600;
	s5 =	sadd.s32 s2, s5  }
0xb1: {  	[hbm4b:s5+s3] =	stream.linear.scatter [tilespmem:s23], [sflag:$0x7], $0x3400, $0x38;
	[tilespmem:$0x153A0] =	vst v63  }
0xb2: {  	s5 =	sor.u32 $0x3, s24;
	_ =	swait.ge [sflag:s14], $0x3400  }
0xb3: {  	s26 =	simm.s32 @!p0 $0xEBA0;
	s29 =	sand.u32 $0xFF, s5;
	[sflag:s14] =	ssyncset.done $0x0  }
0xb4: {  	s24 =	sadd.s32 @!p0 $0x4780, s25;
	s7 =	smul.u32 $0xCD, s29;
	[sflag:s14] =	ssyncadd.s32 $0xFFFFCC00  }
0xb5: {  	[tilespmem:s26], [sflag:$0x3] =	stream.indirect.gather @!p0 [hbm4b:s4+s6], $0x40, s24, s6, $0xb8;
	[tilespmem:$0x153A0] =	vst v63  }
0xb6: {  	s7 =	sshrl.u32 s7, $0xC  }
0xb7: {  	s24 =	sadd.s32 @!p0 $0x47E8, s25;
	s25 =	simm.s32 @!p0 $0x105A0;
	s7 =	smul.u32 $0x14, s7  }
0xb8: {  	[tilespmem:s25], [sflag:$0x3] =	stream.indirect.gather @!p0 [hbm4b:s4+s6], $0x40, s24, s6, $0xb8;
	[tilespmem:$0x153A0] =	vst v63  }
0xb9: {  	s5 =	ssub.s32 s5, s7  }
0xba: {  	_ =	swait.ge [sflag:s16], $0x1A00;
	s5 =	sand.u32 $0xFF, s5  }
0xbb: {  	[sflag:s16] =	ssyncset.done $0x0;
	s5 =	sshll.u32 s5, $0x7  }
0xbc: {  	[sflag:s16] =	ssyncadd.s32 $0xFFFFE600;
	s5 =	sadd.s32 s5, s22  }
0xbd: {  	_ =	swait.ge [sflag:s16], $0x1A00;
	s5 =	smul.u32 $0x680, s5  }
0xbe: {  	[sflag:s16] =	ssyncset.done $0x0  }
.Ltmp3:
0xbf: {  	[sflag:s16] =	ssyncadd.s32 $0xFFFFE600;
	s5 =	sadd.s32 s2, s5;
	(pc) =	sbr.rel @p0 .LBB2_6-.Ltmp3, $4  }
0xc0: {  	[hbm4b:s5+s3] =	stream.linear.scatter [tilespmem:s28], [sflag:$0x8], $0x3400, $0x38;
	[tilespmem:$0x153A0] =	vst v63  }
0xc1: {  	_ =	swait.ge [sflag:s17], $0x3400  }
0xc2: {  	[sflag:s17] =	ssyncset.done $0x0  }
0xc3: {  	[sflag:s17] =	ssyncadd.s32 $0xFFFFCC00  }
.Ltmp4:
0xc4: {  	s5 =	sshra.s32 s20, $0x2;
	(pc) =	sbr.rel .LBB2_4-.Ltmp4, $4  }
0xc5: {  	s6 =	sadd.s32 $0x4850, s5  }
0xc6: {  	[tilespmem:s28], [sflag:$0x4] =	stream.indirect.gather [hbm4b:s4+s13], $0x40, s6, s13, $0xb8;
	[tilespmem:$0x153A0] =	vst v63  }
0xc7: {  	s21 =	sadd.s32 $0x1, s21;
	s20 =	sadd.s32 $0xD00, s20;
	s5 =	sadd.s32 $0x48B8, s5  }
0xc8: {  	[tilespmem:s30], [sflag:$0x4] =	stream.indirect.gather [hbm4b:s4+s13], $0x40, s5, s13, $0xb8;
	[tilespmem:$0x153A0] =	vst v63  }
.LBB2_7:
0xc9: {  	_ =	sfence.sel $0x180000  }
0xca: {  	[bflag:$0x0] =	sbarrier.arrive $0xFFFF  }
0xcb: {  	_ =	strace $0x90000047  }
0xcc: {  	s0 =	stileid.u32;
	[bflag:$0x2] =	sbarrier.arrive $0xFFFF  }
0xcd: {  	p0 =	sne.s32 s0, $0x0;
	s0 =	rddreg [dreg:$0x2]  }
0xce: {  	s0 =	sadd.s32 @!p0 $0x100000, s0  }
0xcf: {  	[sflag:s0] =	ssyncadd.tile.s32 @!p0 $0x1;
	_ =	shalt  }
.Lfunc_end2:
_tile_overlayer_lowered:
.L_overlay_start_2:
0xd0: {  	(tag) =	ssettag $0x2  }
0xd1: {  	s0 =	rddreg [dreg:$0x0];
	s2 =	stileid.u32  }
0xd2: {  	s1 =	rddreg [dreg:$0x1];
	p0 =	sne.s32 s2, $0x0  }
0xd3: {  	s3 =	rddreg [dreg:$0x2];
	[bflag:$0x3] =	sbarrier.arrive $0xFFFF;
	s2 =	simm.s32 @!p0 $0x1C09  }
0xd4: {  	[timem:s3], [sflag:s2] =	dma.local @!p0 [hbm:s0], s1  }
0xd5: {  	s0 =	simm.s32 @!p0 $0x9  }
0xd6: {  	_ =	swait.ge @!p0 [sflag:s0], s1  }
0xd7: {  	s1 =	ssub.s32 @!p0 $0x0, s1;
	[sflag:s0] =	ssyncset.done @!p0 $0x0  }
0xd8: {  	[sflag:s0] =	ssyncadd.s32 @!p0 s1  }
0xd9: {  	[bflag:$0x3] =	sbarrier.arrive $0xFFFF  }
0xda: {  	_ =	shalt  }

</sc_bundles>
